<compile_context>
chip_gen: v7x
topology: tpu7x:2x2x1
jax: 0.10.2.dev20260603
libtpu: 0.0.44.dev20260713+nightly
codegen_flags: <defaults>
</compile_context>

<pallas_src>
import functools

import jax
import jax.numpy as jnp
from jax import lax
from jax.experimental import pallas as pl
from jax.experimental.pallas import tpu as pltpu
from jax.experimental.pallas import tpu_sc as plsc

N, E, D, DE, H = 10000, 320000, 128, 16, 128
NC, NS = 2, 16
NW = NC * NS
EW = E // NW
C = 400
KCH = EW // C
CS = 80
KS = EW // CS
N_PAD = 10240
RPT = N_PAD // NS

_mesh = plsc.VectorSubcoreMesh(core_axis_name="c", subcore_axis_name="s")


def _prep_body(x_ref, pos4_ref, w1a_ref, w1b_ref, w1d_ref, ta_ref, tb_ref):
    xb = x_ref[...]
    na = jnp.sum(pos4_ref[...] * pos4_ref[...], axis=1, keepdims=True)
    nterm = na * w1d_ref[...]
    ta_ref[...] = jnp.dot(xb, w1a_ref[...], preferred_element_type=jnp.float32) + nterm
    tb_ref[...] = jnp.dot(xb, w1b_ref[...], preferred_element_type=jnp.float32) + nterm


_BN = 1000

_prep_call = pl.pallas_call(
    _prep_body,
    grid=(N // _BN,),
    in_specs=[
        pl.BlockSpec((_BN, D), lambda i: (i, 0)),
        pl.BlockSpec((_BN, 16), lambda i: (i, 0)),
        pl.BlockSpec((D, H), lambda i: (0, 0)),
        pl.BlockSpec((D, H), lambda i: (0, 0)),
        pl.BlockSpec((1, H), lambda i: (0, 0)),
    ],
    out_specs=[
        pl.BlockSpec((_BN, H), lambda i: (i, 0)),
        pl.BlockSpec((_BN, H), lambda i: (i, 0)),
    ],
    out_shape=[
        jax.ShapeDtypeStruct((N, H), jnp.float32),
        jax.ShapeDtypeStruct((N, H), jnp.float32),
    ],
)


def _gather_body(ta_h, tb_h, px_h, py_h, pz_h, src_h, dst_h, g_h, dots_h,
                 idx_a, idx_b, gbuf_a, gbuf_b, pos_a, pos_b, dbuf_a, dbuf_b,
                 sem_ia, sem_ib, sem_ga, sem_gb, sem_pa, sem_pb,
                 sem_wa, sem_wb):
    c = lax.axis_index("c")
    s = lax.axis_index("s")
    base_w = (c * NS + s) * EW
    A = (idx_a, gbuf_a, pos_a, dbuf_a, sem_ia, sem_ga, sem_pa, sem_wa)
    B = (idx_b, gbuf_b, pos_b, dbuf_b, sem_ib, sem_gb, sem_pb, sem_wb)

    def load_idx(g, sl):
        idx, _, _, _, sem_i, _, _, _ = sl
        pltpu.async_copy(src_h.at[pl.ds(base_w + g * C, C)], idx[0], sem_i)
        pltpu.async_copy(dst_h.at[pl.ds(base_w + g * C, C)], idx[1], sem_i)

    def drain_idx(sl):
        idx, _, _, _, sem_i, _, _, _ = sl
        pltpu.make_async_copy(src_h.at[pl.ds(0, C)], idx[0], sem_i).wait()
        pltpu.make_async_copy(src_h.at[pl.ds(0, C)], idx[1], sem_i).wait()

    def front(g, sl):
        idx, gbuf, posb, _, _, sem_g, sem_p, _ = sl
        src = idx[0]
        dst = idx[1]
        pltpu.async_copy(ta_h.at[dst], gbuf, sem_g)
        for t_h, ix, buf in ((px_h, dst, posb[0]), (py_h, dst, posb[1]),
                             (pz_h, dst, posb[2]), (px_h, src, posb[3]),
                             (py_h, src, posb[4]), (pz_h, src, posb[5])):
            pltpu.async_copy(t_h.at[ix], buf, sem_p)

    def drain_g(sl):
        _, gbuf, _, _, _, sem_g, _, _ = sl
        pltpu.make_async_copy(g_h.at[pl.ds(0, C)], gbuf, sem_g).wait()

    def drain_p(sl):
        _, _, posb, _, _, _, sem_p, _ = sl
        for b in posb:
            pltpu.make_async_copy(px_h.at[pl.ds(0, C)], b, sem_p).wait()

    def drain_w(sl):
        _, gbuf, _, dbuf, _, _, _, sem_w = sl
        pltpu.make_async_copy(gbuf, g_h.at[pl.ds(0, C)], sem_w).wait()
        pltpu.make_async_copy(dbuf, dots_h.at[pl.ds(0, C)], sem_w).wait()

    load_idx(0, A)
    load_idx(1, B)
    drain_idx(A)
    front(0, A)

    def body(o, carry):
        ga = 2 * o

        drain_idx(B)

        @pl.when(o > 0)
        def _():
            drain_w(B)

        front(ga + 1, B)
        drain_g(A)
        pltpu.async_copy(tb_h.at[idx_a[0]], gbuf_a, sem_ga, add=True)
        drain_p(A)

        def dot_a(t, carry2):
            t16 = pl.ds(t * 16, 16)
            dbuf_a[t16] = (pos_a[0][t16] * pos_a[3][t16]
                           + pos_a[1][t16] * pos_a[4][t16]
                           + pos_a[2][t16] * pos_a[5][t16])
            return carry2

        lax.fori_loop(0, C // 16, dot_a, 0)
        drain_g(A)
        load_idx(ga + 2, A)
        pltpu.async_copy(gbuf_a, g_h.at[pl.ds(base_w + ga * C, C)], sem_wa)
        pltpu.async_copy(dbuf_a, dots_h.at[pl.ds(base_w + ga * C, C)], sem_wa)

        drain_idx(A)
        drain_w(A)
        front(ga + 2, A)
        drain_g(B)
        pltpu.async_copy(tb_h.at[idx_b[0]], gbuf_b, sem_gb, add=True)
        drain_p(B)

        def dot_b(t, carry2):
            t16 = pl.ds(t * 16, 16)
            dbuf_b[t16] = (pos_b[0][t16] * pos_b[3][t16]
                           + pos_b[1][t16] * pos_b[4][t16]
                           + pos_b[2][t16] * pos_b[5][t16])
            return carry2

        lax.fori_loop(0, C // 16, dot_b, 0)
        drain_g(B)

        @pl.when(o < (KCH - 1) // 2 - 1)
        def _():
            load_idx(ga + 3, B)

        pltpu.async_copy(gbuf_b, g_h.at[pl.ds(base_w + (ga + 1) * C, C)],
                         sem_wb)
        pltpu.async_copy(dbuf_b, dots_h.at[pl.ds(base_w + (ga + 1) * C, C)],
                         sem_wb)
        return carry

    lax.fori_loop(0, (KCH - 1) // 2, body, 0)

    g_last = KCH - 1
    drain_g(A)
    pltpu.async_copy(tb_h.at[idx_a[0]], gbuf_a, sem_ga, add=True)
    drain_p(A)

    def dot_tail(t, carry2):
        t16 = pl.ds(t * 16, 16)
        dbuf_a[t16] = (pos_a[0][t16] * pos_a[3][t16]
                       + pos_a[1][t16] * pos_a[4][t16]
                       + pos_a[2][t16] * pos_a[5][t16])
        return carry2

    lax.fori_loop(0, C // 16, dot_tail, 0)
    drain_g(A)
    drain_w(B)
    pltpu.async_copy(gbuf_a, g_h.at[pl.ds(base_w + g_last * C, C)], sem_wa)
    pltpu.async_copy(dbuf_a, dots_h.at[pl.ds(base_w + g_last * C, C)], sem_wa)
    drain_w(A)


_gather_call = functools.partial(
    pl.kernel,
    out_type=[
        jax.ShapeDtypeStruct((E, H), jnp.float32),
        jax.ShapeDtypeStruct((E,), jnp.float32),
    ],
    mesh=_mesh,
    scratch_types=[
        [pltpu.VMEM((C,), jnp.int32)] * 2,
        [pltpu.VMEM((C,), jnp.int32)] * 2,
        pltpu.VMEM((C, H), jnp.float32),
        pltpu.VMEM((C, H), jnp.float32),
        [pltpu.VMEM((C,), jnp.float32)] * 6,
        [pltpu.VMEM((C,), jnp.float32)] * 6,
        pltpu.VMEM((C,), jnp.float32),
        pltpu.VMEM((C,), jnp.float32),
        pltpu.SemaphoreType.DMA,
        pltpu.SemaphoreType.DMA,
        pltpu.SemaphoreType.DMA,
        pltpu.SemaphoreType.DMA,
        pltpu.SemaphoreType.DMA,
        pltpu.SemaphoreType.DMA,
        pltpu.SemaphoreType.DMA,
        pltpu.SemaphoreType.DMA,
    ],
)(_gather_body)


_BE = 1000


def _edge_mlp_body(g_ref, ea_ref, dots_ref, w1c_ref, w2_ref, b1_ref,
                   b2_ref, w1d_ref, out_ref):
    d = jnp.transpose(dots_ref[...].reshape(1, _BE), (1, 0))
    pre = (g_ref[...]
           + jnp.dot(ea_ref[...], w1c_ref[...], preferred_element_type=jnp.float32)
           + b1_ref[...]
           - 2.0 * d * w1d_ref[...])
    m1 = jnp.maximum(pre, 0.0)
    m2 = jnp.dot(m1, w2_ref[...], preferred_element_type=jnp.float32) + b2_ref[...]
    out_ref[...] = jnp.maximum(m2, 0.0)


_edge_mlp_call = pl.pallas_call(
    _edge_mlp_body,
    grid=(E // _BE,),
    in_specs=[
        pl.BlockSpec((_BE, H), lambda i: (i, 0)),
        pl.BlockSpec((_BE, DE), lambda i: (i, 0)),
        pl.BlockSpec((1, 1, _BE), lambda i: (i, 0, 0)),
        pl.BlockSpec((DE, H), lambda i: (0, 0)),
        pl.BlockSpec((H, H), lambda i: (0, 0)),
        pl.BlockSpec((1, H), lambda i: (0, 0)),
        pl.BlockSpec((1, H), lambda i: (0, 0)),
        pl.BlockSpec((1, H), lambda i: (0, 0)),
    ],
    out_specs=pl.BlockSpec((_BE, H), lambda i: (i, 0)),
    out_shape=jax.ShapeDtypeStruct((E, H), jnp.float32),
)


def _scatter_body(m2_h, dst_h, zeros_h, out_h, idx0, idx1, mb0, mb1, aggr_sp,
                  sem_i, sem_m):
    c = lax.axis_index("c")
    s = lax.axis_index("s")
    row0 = s * RPT
    pltpu.sync_copy(zeros_h.at[pl.ds(row0, RPT)],
                    aggr_sp.at[pl.ds(row0, RPT)])
    base = (c * NS + s) * EW
    plsc.subcore_barrier()

    def start(g, idxb, mbuf):
        off = base + g * CS
        pltpu.async_copy(dst_h.at[pl.ds(off, CS)], idxb, sem_i)
        pltpu.async_copy(m2_h.at[pl.ds(off, CS)], mbuf, sem_m)

    def drain():
        pltpu.make_async_copy(dst_h.at[pl.ds(base, CS)], idx0, sem_i).wait()
        pltpu.make_async_copy(m2_h.at[pl.ds(base, CS)], mb0, sem_m).wait()

    def scatter(idxb, mbuf):
        pltpu.sync_copy(mbuf, aggr_sp.at[idxb], add=True)

    start(0, idx0, mb0)

    def outer(o, carry):
        g0 = 2 * o
        drain()
        start(g0 + 1, idx1, mb1)
        scatter(idx0, mb0)
        drain()
        start(g0 + 2, idx0, mb0)
        scatter(idx1, mb1)
        return carry

    lax.fori_loop(0, (KS - 1) // 2, outer, 0)
    drain()
    scatter(idx0, mb0)
    plsc.subcore_barrier()
    pltpu.sync_copy(aggr_sp.at[pl.ds(row0, RPT)],
                    out_h.at[c, pl.ds(row0, RPT)])


_scatter_call = functools.partial(
    pl.kernel,
    out_type=jax.ShapeDtypeStruct((NC, N_PAD, H), jnp.float32),
    mesh=_mesh,
    scratch_types=[
        pltpu.VMEM((CS,), jnp.int32),
        pltpu.VMEM((CS,), jnp.int32),
        pltpu.VMEM((CS, H), jnp.float32),
        pltpu.VMEM((CS, H), jnp.float32),
        pltpu.VMEM_SHARED((N_PAD, H), jnp.float32),
        pltpu.SemaphoreType.DMA,
        pltpu.SemaphoreType.DMA,
    ],
)(_scatter_body)


def _node_mlp_body(x_ref, p_ref, wn1a_ref, wn1b_ref, bn1_ref, wn2_ref, bn2_ref,
                   out_ref):
    aggr = p_ref[0] + p_ref[1]
    h = jnp.maximum(
        jnp.dot(x_ref[...], wn1a_ref[...], preferred_element_type=jnp.float32)
        + jnp.dot(aggr, wn1b_ref[...], preferred_element_type=jnp.float32)
        + bn1_ref[...], 0.0)
    out_ref[...] = (jnp.dot(h, wn2_ref[...], preferred_element_type=jnp.float32)
                    + bn2_ref[...])


_node_mlp_call = pl.pallas_call(
    _node_mlp_body,
    grid=(N // _BN,),
    in_specs=[
        pl.BlockSpec((_BN, D), lambda i: (i, 0)),
        pl.BlockSpec((NC, _BN, H), lambda i: (0, i, 0)),
        pl.BlockSpec((D, H), lambda i: (0, 0)),
        pl.BlockSpec((H, H), lambda i: (0, 0)),
        pl.BlockSpec((1, H), lambda i: (0, 0)),
        pl.BlockSpec((H, D), lambda i: (0, 0)),
        pl.BlockSpec((1, D), lambda i: (0, 0)),
    ],
    out_specs=pl.BlockSpec((_BN, D), lambda i: (i, 0)),
    out_shape=jax.ShapeDtypeStruct((N, D), jnp.float32),
)


def kernel(x, pos, edge_index, edge_attr, W1, b1, W2, b2, Wn1, bn1, Wn2, bn2):
    ei = edge_index.astype(jnp.int32)
    dst = ei[1]
    pos4 = jnp.pad(pos, ((0, 0), (0, 13)))
    px, py, pz = pos[:, 0], pos[:, 1], pos[:, 2]
    W1a = W1[:D]
    W1b = W1[D:2 * D]
    W1c = W1[2 * D:2 * D + DE]
    w1d = W1[2 * D + DE][None, :]

    Ta, Tb = _prep_call(x, pos4, W1a, W1b, w1d)
    G, dots = _gather_call(Ta, Tb, px, py, pz, ei[0], ei[1])
    dots3d = dots.reshape(E // _BE, 1, _BE)
    m2 = _edge_mlp_call(G, edge_attr, dots3d, W1c, W2, b1[None], b2[None], w1d)
    partials = _scatter_call(m2, dst, jnp.zeros((N_PAD, H), jnp.float32))
    out = _node_mlp_call(x, partials, Wn1[:D], Wn1[D:], bn1[None], Wn2, bn2[None])
    return out

# --- scband reference (transcript-rebuilt; emitter-appended) ---
"""Pipeline reference for scband-egnnlayer-64381559767685 (READ-ONLY COPY).

The authoritative reference and input builder live on the scoring server;
editing this copy changes nothing except your own understanding.
"""

import jax, jax.numpy as jnp
import numpy as np

N, E, D, DE, H = 10000, 320000, 128, 16, 128

def _init_linear(key, fan_in, fan_out):
    k1, k2 = jax.random.split(key)
    bound = 1.0 / np.sqrt(fan_in)
    W = jax.random.uniform(k1, (fan_in, fan_out), jnp.float32, -bound, bound)
    b = jax.random.uniform(k2, (fan_out,), jnp.float32, -bound, bound)
    return W, b

def setup_inputs(seed: int = 0) -> dict:
    key = jax.random.key(seed)
    ks = jax.random.split(key, 8)
    x = jax.random.normal(ks[0], (N, D), jnp.float32)
    pos = jax.random.normal(ks[1], (N, 3), jnp.float32)
    edge_index = jax.random.randint(ks[2], (2, E), 0, N)
    edge_attr = jax.random.normal(ks[3], (E, DE), jnp.float32)
    W1, b1 = _init_linear(ks[4], 2 * D + DE + 1, H)
    W2, b2 = _init_linear(ks[5], H, H)
    Wn1, bn1 = _init_linear(ks[6], D + H, H)
    Wn2, bn2 = _init_linear(ks[7], H, D)
    return {"x": x, "pos": pos, "edge_index": edge_index, "edge_attr": edge_attr,
            "W1": W1, "b1": b1, "W2": W2, "b2": b2,
            "Wn1": Wn1, "bn1": bn1, "Wn2": Wn2, "bn2": bn2}

def reference(x, pos, edge_index, edge_attr, W1, b1, W2, b2, Wn1, bn1, Wn2, bn2):
    n = x.shape[0]
    src = edge_index[0]  # j (source, messages flow source_to_target)
    dst = edge_index[1]  # i (target)
    x_i = jnp.take(x, dst, axis=0)
    x_j = jnp.take(x, src, axis=0)
    pos_i = jnp.take(pos, dst, axis=0)
    pos_j = jnp.take(pos, src, axis=0)
    rel_pos = pos_j - pos_i
    dist2 = jnp.sum(rel_pos ** 2, axis=-1, keepdims=True)
    feats = jnp.concatenate([x_i, x_j, edge_attr, dist2], axis=-1)
    m = jax.nn.relu(feats @ W1 + b1)
    m = jax.nn.relu(m @ W2 + b2)
    aggr = jax.ops.segment_sum(m, dst, num_segments=n)
    h = jnp.concatenate([x, aggr], axis=-1)
    h = jax.nn.relu(h @ Wn1 + bn1)
    out = h @ Wn2 + bn2
    return out

if __name__ == "__main__":
    import jax
    _d = setup_inputs()
    print(jax.jit(kernel)(*tuple(_d.values())))

</pallas_src>

<mosaic_0001>
#map = affine_map<(d0, d1) -> (0, 0)>
#map1 = affine_map<(d0, d1) -> (0)>
#map2 = affine_map<(d0, d1) -> (0, 0, 0)>
module attributes {stable_mosaic.version = 14 : i64} {
  func.func @_scatter_body(%arg0: i32, %arg1: i32, %arg2: memref<320000x128xf32, #tpu.memory_space<hbm>>, %arg3: memref<320000xi32, #tpu.memory_space<hbm>>, %arg4: memref<10240x128xf32, #tpu.memory_space<hbm>>, %arg5: memref<2x10240x128xf32, #tpu.memory_space<hbm>>, %arg6: memref<80xi32, #tpu.memory_space<vmem>>, %arg7: memref<80xi32, #tpu.memory_space<vmem>>, %arg8: memref<80x128xf32, #tpu.memory_space<vmem>>, %arg9: memref<80x128xf32, #tpu.memory_space<vmem>>, %arg10: memref<10240x128xf32, #tpu.memory_space<vmem_shared>>, %arg11: memref<!tpu.dma_semaphore, #tpu.memory_space<semaphore_mem>>, %arg12: memref<!tpu.dma_semaphore, #tpu.memory_space<semaphore_mem>>) attributes {dimension_semantics = [#tpu.dimension_semantics<core_parallel>, #tpu.dimension_semantics<subcore_parallel>], iteration_bounds = array<i64: 2, 16>, scalar_prefetch = 0 : i64, scratch_operands = 7 : i64, tpu.core_type = #tpu.core_type<sc_vector_subcore>, window_params = [{transform_indices = #map}, {transform_indices = #map1}, {transform_indices = #map}, {transform_indices = #map2}]} {
    %mul3A = arith.constant 640 : i32
    %mul3A_0 = arith.muli %arg1, %mul3A : i32
    "tpu.region"() ({
      %run_scoped3A = tpu.sem_alloc : memref<!tpu.dma_semaphore, #tpu.memory_space<semaphore_mem>>
      %dma_start3A_23 = arith.constant 0 : i32
      %dma_start3A_24 = tpu.memref_slice %arg10[%mul3A_0, %dma_start3A_23] : memref<10240x128xf32, #tpu.memory_space<vmem_shared>> -> memref<640x128xf32, #tpu.memory_space<vmem_shared>>
      %dma_start3A_25 = arith.constant 0 : i32
      %dma_start3A_26 = tpu.memref_slice %arg4[%mul3A_0, %dma_start3A_25] : memref<10240x128xf32, #tpu.memory_space<hbm>> -> memref<640x128xf32, #tpu.memory_space<hbm>>
      tpu.enqueue_dma source(%dma_start3A_26 : memref<640x128xf32, #tpu.memory_space<hbm>>) target(%dma_start3A_24 : memref<640x128xf32, #tpu.memory_space<vmem_shared>>) target_semaphore(%run_scoped3A : memref<!tpu.dma_semaphore, #tpu.memory_space<semaphore_mem>>)
      %dma_wait3A_27 = arith.constant 0 : i32
      %dma_wait3A_28 = tpu.memref_slice %arg10[%mul3A_0, %dma_wait3A_27] : memref<10240x128xf32, #tpu.memory_space<vmem_shared>> -> memref<640x128xf32, #tpu.memory_space<vmem_shared>>
      %dma_wait3A_29 = arith.constant 0 : i32
      %dma_wait3A_30 = tpu.memref_slice %arg4[%mul3A_0, %dma_wait3A_29] : memref<10240x128xf32, #tpu.memory_space<hbm>> -> memref<640x128xf32, #tpu.memory_space<hbm>>
      tpu.wait_dma2 semaphore(%run_scoped3A : memref<!tpu.dma_semaphore, #tpu.memory_space<semaphore_mem>>) src(%dma_wait3A_30 : memref<640x128xf32, #tpu.memory_space<hbm>>) dst(%dma_wait3A_28 : memref<640x128xf32, #tpu.memory_space<vmem_shared>>)
      tpu.yield
    }) : () -> ()
    %mul3A_1 = arith.constant 16 : i32
    %mul3A_2 = arith.muli %arg0, %mul3A_1 : i32
    %add3A = arith.addi %mul3A_2, %arg1 : i32
    %mul3A_3 = arith.constant 10000 : i32
    %mul3A_4 = arith.muli %add3A, %mul3A_3 : i32
    %barrier3A = arith.constant 0 : index
    tpu.barrier barrier_id(%barrier3A)
    %add3A_5 = arith.constant 0 : i32
    %add3A_6 = arith.addi %mul3A_4, %add3A_5 : i32
    %dma_start3A = tpu.memref_slice %arg3[%add3A_6] : memref<320000xi32, #tpu.memory_space<hbm>> -> memref<80xi32, #tpu.memory_space<hbm>>
    %dma_start3A_7 = tpu.memref_slice %arg3[%add3A_6] : memref<320000xi32, #tpu.memory_space<hbm>> -> memref<80xi32, #tpu.memory_space<hbm>>
    tpu.enqueue_dma source(%dma_start3A_7 : memref<80xi32, #tpu.memory_space<hbm>>) target(%arg6 : memref<80xi32, #tpu.memory_space<vmem>>) target_semaphore(%arg11 : memref<!tpu.dma_semaphore, #tpu.memory_space<semaphore_mem>>)
    %dma_start3A_8 = arith.constant 0 : i32
    %dma_start3A_9 = tpu.memref_slice %arg2[%add3A_6, %dma_start3A_8] : memref<320000x128xf32, #tpu.memory_space<hbm>> -> memref<80x128xf32, #tpu.memory_space<hbm>>
    %dma_start3A_10 = arith.constant 0 : i32
    %dma_start3A_11 = tpu.memref_slice %arg2[%add3A_6, %dma_start3A_10] : memref<320000x128xf32, #tpu.memory_space<hbm>> -> memref<80x128xf32, #tpu.memory_space<hbm>>
    tpu.enqueue_dma source(%dma_start3A_11 : memref<80x128xf32, #tpu.memory_space<hbm>>) target(%arg8 : memref<80x128xf32, #tpu.memory_space<vmem>>) target_semaphore(%arg12 : memref<!tpu.dma_semaphore, #tpu.memory_space<semaphore_mem>>)
    %scan3A = arith.constant 0 : i32
    %scan3A_12 = arith.constant 0 : i32
    %scan3A_13 = arith.constant 62 : i32
    %scan3A_14 = arith.addi %scan3A_12, %scan3A_13 : i32
    %scan3A_15 = arith.constant 1 : i32
    scf.for %scan3A_23 = %scan3A_12 to %scan3A_14 step %scan3A_15  : i32 {
      %mul3A_24 = arith.constant 2 : i32
      %mul3A_25 = arith.muli %mul3A_24, %scan3A_23 : i32
      %dma_wait3A_26 = tpu.memref_slice %arg3[%mul3A_4] : memref<320000xi32, #tpu.memory_space<hbm>> -> memref<80xi32, #tpu.memory_space<hbm>>
      %dma_wait3A_27 = tpu.memref_slice %arg3[%mul3A_4] : memref<320000xi32, #tpu.memory_space<hbm>> -> memref<80xi32, #tpu.memory_space<hbm>>
      tpu.wait_dma2 semaphore(%arg11 : memref<!tpu.dma_semaphore, #tpu.memory_space<semaphore_mem>>) src(%dma_wait3A_27 : memref<80xi32, #tpu.memory_space<hbm>>) dst(%arg6 : memref<80xi32, #tpu.memory_space<vmem>>)
      %dma_wait3A_28 = arith.constant 0 : i32
      %dma_wait3A_29 = tpu.memref_slice %arg2[%mul3A_4, %dma_wait3A_28] : memref<320000x128xf32, #tpu.memory_space<hbm>> -> memref<80x128xf32, #tpu.memory_space<hbm>>
      %dma_wait3A_30 = arith.constant 0 : i32
      %dma_wait3A_31 = tpu.memref_slice %arg2[%mul3A_4, %dma_wait3A_30] : memref<320000x128xf32, #tpu.memory_space<hbm>> -> memref<80x128xf32, #tpu.memory_space<hbm>>
      tpu.wait_dma2 semaphore(%arg12 : memref<!tpu.dma_semaphore, #tpu.memory_space<semaphore_mem>>) src(%dma_wait3A_31 : memref<80x128xf32, #tpu.memory_space<hbm>>) dst(%arg8 : memref<80x128xf32, #tpu.memory_space<vmem>>)
      %add3A_32 = arith.constant 1 : i32
      %add3A_33 = arith.addi %mul3A_25, %add3A_32 : i32
      %mul3A_34 = arith.constant 80 : i32
      %mul3A_35 = arith.muli %add3A_33, %mul3A_34 : i32
      %add3A_36 = arith.addi %mul3A_4, %mul3A_35 : i32
      %dma_start3A_37 = tpu.memref_slice %arg3[%add3A_36] : memref<320000xi32, #tpu.memory_space<hbm>> -> memref<80xi32, #tpu.memory_space<hbm>>
      %dma_start3A_38 = tpu.memref_slice %arg3[%add3A_36] : memref<320000xi32, #tpu.memory_space<hbm>> -> memref<80xi32, #tpu.memory_space<hbm>>
      tpu.enqueue_dma source(%dma_start3A_38 : memref<80xi32, #tpu.memory_space<hbm>>) target(%arg7 : memref<80xi32, #tpu.memory_space<vmem>>) target_semaphore(%arg11 : memref<!tpu.dma_semaphore, #tpu.memory_space<semaphore_mem>>)
      %dma_start3A_39 = arith.constant 0 : i32
      %dma_start3A_40 = tpu.memref_slice %arg2[%add3A_36, %dma_start3A_39] : memref<320000x128xf32, #tpu.memory_space<hbm>> -> memref<80x128xf32, #tpu.memory_space<hbm>>
      %dma_start3A_41 = arith.constant 0 : i32
      %dma_start3A_42 = tpu.memref_slice %arg2[%add3A_36, %dma_start3A_41] : memref<320000x128xf32, #tpu.memory_space<hbm>> -> memref<80x128xf32, #tpu.memory_space<hbm>>
      tpu.enqueue_dma source(%dma_start3A_42 : memref<80x128xf32, #tpu.memory_space<hbm>>) target(%arg9 : memref<80x128xf32, #tpu.memory_space<vmem>>) target_semaphore(%arg12 : memref<!tpu.dma_semaphore, #tpu.memory_space<semaphore_mem>>)
      "tpu.region"() ({
        %run_scoped3A = tpu.sem_alloc : memref<!tpu.dma_semaphore, #tpu.memory_space<semaphore_mem>>
        %dma_start3A_60 = arith.constant 0 : i32
        %dma_start3A_61 = arith.constant 0 : i32
        %dma_start3A_62 = tpu.memref_slice %arg10[%dma_start3A_60, %dma_start3A_61] : memref<10240x128xf32, #tpu.memory_space<vmem_shared>> -> memref<10240x128xf32, #tpu.memory_space<vmem_shared>>
        tpu.enqueue_indirect_dma source(%arg8 : memref<80x128xf32, #tpu.memory_space<vmem>>) target(%dma_start3A_62 : memref<10240x128xf32, #tpu.memory_space<vmem_shared>>) offsets(%arg6 : memref<80xi32, #tpu.memory_space<vmem>>) semaphore(%run_scoped3A : memref<!tpu.dma_semaphore, #tpu.memory_space<semaphore_mem>>) {add = true}
        %dma_wait3A_63 = arith.constant 0 : i32
        %dma_wait3A_64 = arith.constant 0 : i32
        %dma_wait3A_65 = tpu.memref_slice %arg10[%dma_wait3A_63, %dma_wait3A_64] : memref<10240x128xf32, #tpu.memory_space<vmem_shared>> -> memref<10240x128xf32, #tpu.memory_space<vmem_shared>>
        tpu.wait_indirect_dma semaphore(%run_scoped3A : memref<!tpu.dma_semaphore, #tpu.memory_space<semaphore_mem>>) src(%arg8 : memref<80x128xf32, #tpu.memory_space<vmem>>) dst(%dma_wait3A_65 : memref<10240x128xf32, #tpu.memory_space<vmem_shared>>)
        tpu.yield
      }) : () -> ()
      %dma_wait3A_43 = tpu.memref_slice %arg3[%mul3A_4] : memref<320000xi32, #tpu.memory_space<hbm>> -> memref<80xi32, #tpu.memory_space<hbm>>
      %dma_wait3A_44 = tpu.memref_slice %arg3[%mul3A_4] : memref<320000xi32, #tpu.memory_space<hbm>> -> memref<80xi32, #tpu.memory_space<hbm>>
      tpu.wait_dma2 semaphore(%arg11 : memref<!tpu.dma_semaphore, #tpu.memory_space<semaphore_mem>>) src(%dma_wait3A_44 : memref<80xi32, #tpu.memory_space<hbm>>) dst(%arg6 : memref<80xi32, #tpu.memory_space<vmem>>)
      %dma_wait3A_45 = arith.constant 0 : i32
      %dma_wait3A_46 = tpu.memref_slice %arg2[%mul3A_4, %dma_wait3A_45] : memref<320000x128xf32, #tpu.memory_space<hbm>> -> memref<80x128xf32, #tpu.memory_space<hbm>>
      %dma_wait3A_47 = arith.constant 0 : i32
      %dma_wait3A_48 = tpu.memref_slice %arg2[%mul3A_4, %dma_wait3A_47] : memref<320000x128xf32, #tpu.memory_space<hbm>> -> memref<80x128xf32, #tpu.memory_space<hbm>>
      tpu.wait_dma2 semaphore(%arg12 : memref<!tpu.dma_semaphore, #tpu.memory_space<semaphore_mem>>) src(%dma_wait3A_48 : memref<80x128xf32, #tpu.memory_space<hbm>>) dst(%arg8 : memref<80x128xf32, #tpu.memory_space<vmem>>)
      %add3A_49 = arith.constant 2 : i32
      %add3A_50 = arith.addi %mul3A_25, %add3A_49 : i32
      %mul3A_51 = arith.constant 80 : i32
      %mul3A_52 = arith.muli %add3A_50, %mul3A_51 : i32
      %add3A_53 = arith.addi %mul3A_4, %mul3A_52 : i32
      %dma_start3A_54 = tpu.memref_slice %arg3[%add3A_53] : memref<320000xi32, #tpu.memory_space<hbm>> -> memref<80xi32, #tpu.memory_space<hbm>>
      %dma_start3A_55 = tpu.memref_slice %arg3[%add3A_53] : memref<320000xi32, #tpu.memory_space<hbm>> -> memref<80xi32, #tpu.memory_space<hbm>>
      tpu.enqueue_dma source(%dma_start3A_55 : memref<80xi32, #tpu.memory_space<hbm>>) target(%arg6 : memref<80xi32, #tpu.memory_space<vmem>>) target_semaphore(%arg11 : memref<!tpu.dma_semaphore, #tpu.memory_space<semaphore_mem>>)
      %dma_start3A_56 = arith.constant 0 : i32
      %dma_start3A_57 = tpu.memref_slice %arg2[%add3A_53, %dma_start3A_56] : memref<320000x128xf32, #tpu.memory_space<hbm>> -> memref<80x128xf32, #tpu.memory_space<hbm>>
      %dma_start3A_58 = arith.constant 0 : i32
      %dma_start3A_59 = tpu.memref_slice %arg2[%add3A_53, %dma_start3A_58] : memref<320000x128xf32, #tpu.memory_space<hbm>> -> memref<80x128xf32, #tpu.memory_space<hbm>>
      tpu.enqueue_dma source(%dma_start3A_59 : memref<80x128xf32, #tpu.memory_space<hbm>>) target(%arg8 : memref<80x128xf32, #tpu.memory_space<vmem>>) target_semaphore(%arg12 : memref<!tpu.dma_semaphore, #tpu.memory_space<semaphore_mem>>)
      "tpu.region"() ({
        %run_scoped3A = tpu.sem_alloc : memref<!tpu.dma_semaphore, #tpu.memory_space<semaphore_mem>>
        %dma_start3A_60 = arith.constant 0 : i32
        %dma_start3A_61 = arith.constant 0 : i32
        %dma_start3A_62 = tpu.memref_slice %arg10[%dma_start3A_60, %dma_start3A_61] : memref<10240x128xf32, #tpu.memory_space<vmem_shared>> -> memref<10240x128xf32, #tpu.memory_space<vmem_shared>>
        tpu.enqueue_indirect_dma source(%arg9 : memref<80x128xf32, #tpu.memory_space<vmem>>) target(%dma_start3A_62 : memref<10240x128xf32, #tpu.memory_space<vmem_shared>>) offsets(%arg7 : memref<80xi32, #tpu.memory_space<vmem>>) semaphore(%run_scoped3A : memref<!tpu.dma_semaphore, #tpu.memory_space<semaphore_mem>>) {add = true}
        %dma_wait3A_63 = arith.constant 0 : i32
        %dma_wait3A_64 = arith.constant 0 : i32
        %dma_wait3A_65 = tpu.memref_slice %arg10[%dma_wait3A_63, %dma_wait3A_64] : memref<10240x128xf32, #tpu.memory_space<vmem_shared>> -> memref<10240x128xf32, #tpu.memory_space<vmem_shared>>
        tpu.wait_indirect_dma semaphore(%run_scoped3A : memref<!tpu.dma_semaphore, #tpu.memory_space<semaphore_mem>>) src(%arg9 : memref<80x128xf32, #tpu.memory_space<vmem>>) dst(%dma_wait3A_65 : memref<10240x128xf32, #tpu.memory_space<vmem_shared>>)
        tpu.yield
      }) : () -> ()
    }
    %scan3A_16 = arith.constant 62 : i32
    %dma_wait3A = tpu.memref_slice %arg3[%mul3A_4] : memref<320000xi32, #tpu.memory_space<hbm>> -> memref<80xi32, #tpu.memory_space<hbm>>
    %dma_wait3A_17 = tpu.memref_slice %arg3[%mul3A_4] : memref<320000xi32, #tpu.memory_space<hbm>> -> memref<80xi32, #tpu.memory_space<hbm>>
    tpu.wait_dma2 semaphore(%arg11 : memref<!tpu.dma_semaphore, #tpu.memory_space<semaphore_mem>>) src(%dma_wait3A_17 : memref<80xi32, #tpu.memory_space<hbm>>) dst(%arg6 : memref<80xi32, #tpu.memory_space<vmem>>)
    %dma_wait3A_18 = arith.constant 0 : i32
    %dma_wait3A_19 = tpu.memref_slice %arg2[%mul3A_4, %dma_wait3A_18] : memref<320000x128xf32, #tpu.memory_space<hbm>> -> memref<80x128xf32, #tpu.memory_space<hbm>>
    %dma_wait3A_20 = arith.constant 0 : i32
    %dma_wait3A_21 = tpu.memref_slice %arg2[%mul3A_4, %dma_wait3A_20] : memref<320000x128xf32, #tpu.memory_space<hbm>> -> memref<80x128xf32, #tpu.memory_space<hbm>>
    tpu.wait_dma2 semaphore(%arg12 : memref<!tpu.dma_semaphore, #tpu.memory_space<semaphore_mem>>) src(%dma_wait3A_21 : memref<80x128xf32, #tpu.memory_space<hbm>>) dst(%arg8 : memref<80x128xf32, #tpu.memory_space<vmem>>)
    "tpu.region"() ({
      %run_scoped3A = tpu.sem_alloc : memref<!tpu.dma_semaphore, #tpu.memory_space<semaphore_mem>>
      %dma_start3A_23 = arith.constant 0 : i32
      %dma_start3A_24 = arith.constant 0 : i32
      %dma_start3A_25 = tpu.memref_slice %arg10[%dma_start3A_23, %dma_start3A_24] : memref<10240x128xf32, #tpu.memory_space<vmem_shared>> -> memref<10240x128xf32, #tpu.memory_space<vmem_shared>>
      tpu.enqueue_indirect_dma source(%arg8 : memref<80x128xf32, #tpu.memory_space<vmem>>) target(%dma_start3A_25 : memref<10240x128xf32, #tpu.memory_space<vmem_shared>>) offsets(%arg6 : memref<80xi32, #tpu.memory_space<vmem>>) semaphore(%run_scoped3A : memref<!tpu.dma_semaphore, #tpu.memory_space<semaphore_mem>>) {add = true}
      %dma_wait3A_26 = arith.constant 0 : i32
      %dma_wait3A_27 = arith.constant 0 : i32
      %dma_wait3A_28 = tpu.memref_slice %arg10[%dma_wait3A_26, %dma_wait3A_27] : memref<10240x128xf32, #tpu.memory_space<vmem_shared>> -> memref<10240x128xf32, #tpu.memory_space<vmem_shared>>
      tpu.wait_indirect_dma semaphore(%run_scoped3A : memref<!tpu.dma_semaphore, #tpu.memory_space<semaphore_mem>>) src(%arg8 : memref<80x128xf32, #tpu.memory_space<vmem>>) dst(%dma_wait3A_28 : memref<10240x128xf32, #tpu.memory_space<vmem_shared>>)
      tpu.yield
    }) : () -> ()
    %barrier3A_22 = arith.constant 0 : index
    tpu.barrier barrier_id(%barrier3A_22)
    "tpu.region"() ({
      %run_scoped3A = tpu.sem_alloc : memref<!tpu.dma_semaphore, #tpu.memory_space<semaphore_mem>>
      %dma_start3A_23 = arith.constant 0 : i32
      %dma_start3A_24 = tpu.memref_slice %arg5[%arg0, %mul3A_0, %dma_start3A_23] : memref<2x10240x128xf32, #tpu.memory_space<hbm>> -> memref<1x640x128xf32, #tpu.memory_space<hbm>>
      %dma_start3A_25 = tpu.memref_squeeze %dma_start3A_24 : memref<1x640x128xf32, #tpu.memory_space<hbm>> -> memref<640x128xf32, #tpu.memory_space<hbm>>
      %dma_start3A_26 = arith.constant 0 : i32
      %dma_start3A_27 = tpu.memref_slice %arg10[%mul3A_0, %dma_start3A_26] : memref<10240x128xf32, #tpu.memory_space<vmem_shared>> -> memref<640x128xf32, #tpu.memory_space<vmem_shared>>
      tpu.enqueue_dma source(%dma_start3A_27 : memref<640x128xf32, #tpu.memory_space<vmem_shared>>) target(%dma_start3A_25 : memref<640x128xf32, #tpu.memory_space<hbm>>) target_semaphore(%run_scoped3A : memref<!tpu.dma_semaphore, #tpu.memory_space<semaphore_mem>>)
      %dma_wait3A_28 = arith.constant 0 : i32
      %dma_wait3A_29 = tpu.memref_slice %arg5[%arg0, %mul3A_0, %dma_wait3A_28] : memref<2x10240x128xf32, #tpu.memory_space<hbm>> -> memref<1x640x128xf32, #tpu.memory_space<hbm>>
      %dma_wait3A_30 = tpu.memref_squeeze %dma_wait3A_29 : memref<1x640x128xf32, #tpu.memory_space<hbm>> -> memref<640x128xf32, #tpu.memory_space<hbm>>
      %dma_wait3A_31 = arith.constant 0 : i32
      %dma_wait3A_32 = tpu.memref_slice %arg10[%mul3A_0, %dma_wait3A_31] : memref<10240x128xf32, #tpu.memory_space<vmem_shared>> -> memref<640x128xf32, #tpu.memory_space<vmem_shared>>
      tpu.wait_dma2 semaphore(%run_scoped3A : memref<!tpu.dma_semaphore, #tpu.memory_space<semaphore_mem>>) src(%dma_wait3A_32 : memref<640x128xf32, #tpu.memory_space<vmem_shared>>) dst(%dma_wait3A_30 : memref<640x128xf32, #tpu.memory_space<hbm>>)
      tpu.yield
    }) : () -> ()
    return
  }
}

#map = affine_map<(d0, d1) -> (0, 0)>
#map1 = affine_map<(d0, d1) -> (0)>
module attributes {stable_mosaic.version = 14 : i64} {
  func.func @_gather_body(%arg0: i32, %arg1: i32, %arg2: memref<10000x128xf32, #tpu.memory_space<hbm>>, %arg3: memref<10000x128xf32, #tpu.memory_space<hbm>>, %arg4: memref<10000xf32, #tpu.memory_space<hbm>>, %arg5: memref<10000xf32, #tpu.memory_space<hbm>>, %arg6: memref<10000xf32, #tpu.memory_space<hbm>>, %arg7: memref<320000xi32, #tpu.memory_space<hbm>>, %arg8: memref<320000xi32, #tpu.memory_space<hbm>>, %arg9: memref<320000x128xf32, #tpu.memory_space<hbm>>, %arg10: memref<320000xf32, #tpu.memory_space<hbm>>, %arg11: memref<400xi32, #tpu.memory_space<vmem>>, %arg12: memref<400xi32, #tpu.memory_space<vmem>>, %arg13: memref<400xi32, #tpu.memory_space<vmem>>, %arg14: memref<400xi32, #tpu.memory_space<vmem>>, %arg15: memref<400x128xf32, #tpu.memory_space<vmem>>, %arg16: memref<400x128xf32, #tpu.memory_space<vmem>>, %arg17: memref<400xf32, #tpu.memory_space<vmem>>, %arg18: memref<400xf32, #tpu.memory_space<vmem>>, %arg19: memref<400xf32, #tpu.memory_space<vmem>>, %arg20: memref<400xf32, #tpu.memory_space<vmem>>, %arg21: memref<400xf32, #tpu.memory_space<vmem>>, %arg22: memref<400xf32, #tpu.memory_space<vmem>>, %arg23: memref<400xf32, #tpu.memory_space<vmem>>, %arg24: memref<400xf32, #tpu.memory_space<vmem>>, %arg25: memref<400xf32, #tpu.memory_space<vmem>>, %arg26: memref<400xf32, #tpu.memory_space<vmem>>, %arg27: memref<400xf32, #tpu.memory_space<vmem>>, %arg28: memref<400xf32, #tpu.memory_space<vmem>>, %arg29: memref<400xf32, #tpu.memory_space<vmem>>, %arg30: memref<400xf32, #tpu.memory_space<vmem>>, %arg31: memref<!tpu.dma_semaphore, #tpu.memory_space<semaphore_mem>>, %arg32: memref<!tpu.dma_semaphore, #tpu.memory_space<semaphore_mem>>, %arg33: memref<!tpu.dma_semaphore, #tpu.memory_space<semaphore_mem>>, %arg34: memref<!tpu.dma_semaphore, #tpu.memory_space<semaphore_mem>>, %arg35: memref<!tpu.dma_semaphore, #tpu.memory_space<semaphore_mem>>, %arg36: memref<!tpu.dma_semaphore, #tpu.memory_space<semaphore_mem>>, %arg37: memref<!tpu.dma_semaphore, #tpu.memory_space<semaphore_mem>>, %arg38: memref<!tpu.dma_semaphore, #tpu.memory_space<semaphore_mem>>) attributes {dimension_semantics = [#tpu.dimension_semantics<core_parallel>, #tpu.dimension_semantics<subcore_parallel>], iteration_bounds = array<i64: 2, 16>, scalar_prefetch = 0 : i64, scratch_operands = 28 : i64, tpu.core_type = #tpu.core_type<sc_vector_subcore>, window_params = [{transform_indices = #map}, {transform_indices = #map}, {transform_indices = #map1}, {transform_indices = #map1}, {transform_indices = #map1}, {transform_indices = #map1}, {transform_indices = #map1}, {transform_indices = #map}, {transform_indices = #map1}]} {
    %mul3A = arith.constant 16 : i32
    %mul3A_0 = arith.muli %arg0, %mul3A : i32
    %add3A = arith.addi %mul3A_0, %arg1 : i32
    %mul3A_1 = arith.constant 10000 : i32
    %mul3A_2 = arith.muli %add3A, %mul3A_1 : i32
    %add3A_3 = arith.constant 0 : i32
    %add3A_4 = arith.addi %mul3A_2, %add3A_3 : i32
    %dma_start3A = tpu.memref_slice %arg7[%add3A_4] : memref<320000xi32, #tpu.memory_space<hbm>> -> memref<400xi32, #tpu.memory_space<hbm>>
    %dma_start3A_5 = tpu.memref_slice %arg7[%add3A_4] : memref<320000xi32, #tpu.memory_space<hbm>> -> memref<400xi32, #tpu.memory_space<hbm>>
    tpu.enqueue_dma source(%dma_start3A_5 : memref<400xi32, #tpu.memory_space<hbm>>) target(%arg11 : memref<400xi32, #tpu.memory_space<vmem>>) target_semaphore(%arg31 : memref<!tpu.dma_semaphore, #tpu.memory_space<semaphore_mem>>)
    %add3A_6 = arith.constant 0 : i32
    %add3A_7 = arith.addi %mul3A_2, %add3A_6 : i32
    %dma_start3A_8 = tpu.memref_slice %arg8[%add3A_7] : memref<320000xi32, #tpu.memory_space<hbm>> -> memref<400xi32, #tpu.memory_space<hbm>>
    %dma_start3A_9 = tpu.memref_slice %arg8[%add3A_7] : memref<320000xi32, #tpu.memory_space<hbm>> -> memref<400xi32, #tpu.memory_space<hbm>>
    tpu.enqueue_dma source(%dma_start3A_9 : memref<400xi32, #tpu.memory_space<hbm>>) target(%arg12 : memref<400xi32, #tpu.memory_space<vmem>>) target_semaphore(%arg31 : memref<!tpu.dma_semaphore, #tpu.memory_space<semaphore_mem>>)
    %add3A_10 = arith.constant 400 : i32
    %add3A_11 = arith.addi %mul3A_2, %add3A_10 : i32
    %dma_start3A_12 = tpu.memref_slice %arg7[%add3A_11] : memref<320000xi32, #tpu.memory_space<hbm>> -> memref<400xi32, #tpu.memory_space<hbm>>
    %dma_start3A_13 = tpu.memref_slice %arg7[%add3A_11] : memref<320000xi32, #tpu.memory_space<hbm>> -> memref<400xi32, #tpu.memory_space<hbm>>
    tpu.enqueue_dma source(%dma_start3A_13 : memref<400xi32, #tpu.memory_space<hbm>>) target(%arg13 : memref<400xi32, #tpu.memory_space<vmem>>) target_semaphore(%arg32 : memref<!tpu.dma_semaphore, #tpu.memory_space<semaphore_mem>>)
    %add3A_14 = arith.constant 400 : i32
    %add3A_15 = arith.addi %mul3A_2, %add3A_14 : i32
    %dma_start3A_16 = tpu.memref_slice %arg8[%add3A_15] : memref<320000xi32, #tpu.memory_space<hbm>> -> memref<400xi32, #tpu.memory_space<hbm>>
    %dma_start3A_17 = tpu.memref_slice %arg8[%add3A_15] : memref<320000xi32, #tpu.memory_space<hbm>> -> memref<400xi32, #tpu.memory_space<hbm>>
    tpu.enqueue_dma source(%dma_start3A_17 : memref<400xi32, #tpu.memory_space<hbm>>) target(%arg14 : memref<400xi32, #tpu.memory_space<vmem>>) target_semaphore(%arg32 : memref<!tpu.dma_semaphore, #tpu.memory_space<semaphore_mem>>)
    %dma_wait3A = arith.constant 0 : i32
    %dma_wait3A_18 = tpu.memref_slice %arg7[%dma_wait3A] : memref<320000xi32, #tpu.memory_space<hbm>> -> memref<400xi32, #tpu.memory_space<hbm>>
    %dma_wait3A_19 = arith.constant 0 : i32
    %dma_wait3A_20 = tpu.memref_slice %arg7[%dma_wait3A_19] : memref<320000xi32, #tpu.memory_space<hbm>> -> memref<400xi32, #tpu.memory_space<hbm>>
    tpu.wait_dma2 semaphore(%arg31 : memref<!tpu.dma_semaphore, #tpu.memory_space<semaphore_mem>>) src(%dma_wait3A_20 : memref<400xi32, #tpu.memory_space<hbm>>) dst(%arg11 : memref<400xi32, #tpu.memory_space<vmem>>)
    %dma_wait3A_21 = arith.constant 0 : i32
    %dma_wait3A_22 = tpu.memref_slice %arg7[%dma_wait3A_21] : memref<320000xi32, #tpu.memory_space<hbm>> -> memref<400xi32, #tpu.memory_space<hbm>>
    %dma_wait3A_23 = arith.constant 0 : i32
    %dma_wait3A_24 = tpu.memref_slice %arg7[%dma_wait3A_23] : memref<320000xi32, #tpu.memory_space<hbm>> -> memref<400xi32, #tpu.memory_space<hbm>>
    tpu.wait_dma2 semaphore(%arg31 : memref<!tpu.dma_semaphore, #tpu.memory_space<semaphore_mem>>) src(%dma_wait3A_24 : memref<400xi32, #tpu.memory_space<hbm>>) dst(%arg12 : memref<400xi32, #tpu.memory_space<vmem>>)
    %dma_start3A_25 = arith.constant 0 : i32
    %dma_start3A_26 = arith.constant 0 : i32
    %dma_start3A_27 = tpu.memref_slice %arg2[%dma_start3A_25, %dma_start3A_26] : memref<10000x128xf32, #tpu.memory_space<hbm>> -> memref<10000x128xf32, #tpu.memory_space<hbm>>
    tpu.enqueue_indirect_dma source(%dma_start3A_27 : memref<10000x128xf32, #tpu.memory_space<hbm>>) target(%arg15 : memref<400x128xf32, #tpu.memory_space<vmem>>) offsets(%arg12 : memref<400xi32, #tpu.memory_space<vmem>>) semaphore(%arg33 : memref<!tpu.dma_semaphore, #tpu.memory_space<semaphore_mem>>)
    %dma_start3A_28 = arith.constant 0 : i32
    %dma_start3A_29 = tpu.memref_slice %arg4[%dma_start3A_28] : memref<10000xf32, #tpu.memory_space<hbm>> -> memref<10000xf32, #tpu.memory_space<hbm>>
    tpu.enqueue_indirect_dma source(%dma_start3A_29 : memref<10000xf32, #tpu.memory_space<hbm>>) target(%arg17 : memref<400xf32, #tpu.memory_space<vmem>>) offsets(%arg12 : memref<400xi32, #tpu.memory_space<vmem>>) semaphore(%arg35 : memref<!tpu.dma_semaphore, #tpu.memory_space<semaphore_mem>>)
    %dma_start3A_30 = arith.constant 0 : i32
    %dma_start3A_31 = tpu.memref_slice %arg5[%dma_start3A_30] : memref<10000xf32, #tpu.memory_space<hbm>> -> memref<10000xf32, #tpu.memory_space<hbm>>
    tpu.enqueue_indirect_dma source(%dma_start3A_31 : memref<10000xf32, #tpu.memory_space<hbm>>) target(%arg18 : memref<400xf32, #tpu.memory_space<vmem>>) offsets(%arg12 : memref<400xi32, #tpu.memory_space<vmem>>) semaphore(%arg35 : memref<!tpu.dma_semaphore, #tpu.memory_space<semaphore_mem>>)
    %dma_start3A_32 = arith.constant 0 : i32
    %dma_start3A_33 = tpu.memref_slice %arg6[%dma_start3A_32] : memref<10000xf32, #tpu.memory_space<hbm>> -> memref<10000xf32, #tpu.memory_space<hbm>>
    tpu.enqueue_indirect_dma source(%dma_start3A_33 : memref<10000xf32, #tpu.memory_space<hbm>>) target(%arg19 : memref<400xf32, #tpu.memory_space<vmem>>) offsets(%arg12 : memref<400xi32, #tpu.memory_space<vmem>>) semaphore(%arg35 : memref<!tpu.dma_semaphore, #tpu.memory_space<semaphore_mem>>)
    %dma_start3A_34 = arith.constant 0 : i32
    %dma_start3A_35 = tpu.memref_slice %arg4[%dma_start3A_34] : memref<10000xf32, #tpu.memory_space<hbm>> -> memref<10000xf32, #tpu.memory_space<hbm>>
    tpu.enqueue_indirect_dma source(%dma_start3A_35 : memref<10000xf32, #tpu.memory_space<hbm>>) target(%arg20 : memref<400xf32, #tpu.memory_space<vmem>>) offsets(%arg11 : memref<400xi32, #tpu.memory_space<vmem>>) semaphore(%arg35 : memref<!tpu.dma_semaphore, #tpu.memory_space<semaphore_mem>>)
    %dma_start3A_36 = arith.constant 0 : i32
    %dma_start3A_37 = tpu.memref_slice %arg5[%dma_start3A_36] : memref<10000xf32, #tpu.memory_space<hbm>> -> memref<10000xf32, #tpu.memory_space<hbm>>
    tpu.enqueue_indirect_dma source(%dma_start3A_37 : memref<10000xf32, #tpu.memory_space<hbm>>) target(%arg21 : memref<400xf32, #tpu.memory_space<vmem>>) offsets(%arg11 : memref<400xi32, #tpu.memory_space<vmem>>) semaphore(%arg35 : memref<!tpu.dma_semaphore, #tpu.memory_space<semaphore_mem>>)
    %dma_start3A_38 = arith.constant 0 : i32
    %dma_start3A_39 = tpu.memref_slice %arg6[%dma_start3A_38] : memref<10000xf32, #tpu.memory_space<hbm>> -> memref<10000xf32, #tpu.memory_space<hbm>>
    tpu.enqueue_indirect_dma source(%dma_start3A_39 : memref<10000xf32, #tpu.memory_space<hbm>>) target(%arg22 : memref<400xf32, #tpu.memory_space<vmem>>) offsets(%arg11 : memref<400xi32, #tpu.memory_space<vmem>>) semaphore(%arg35 : memref<!tpu.dma_semaphore, #tpu.memory_space<semaphore_mem>>)
    %scan3A = arith.constant 0 : i32
    %scan3A_40 = arith.constant 0 : i32
    %scan3A_41 = arith.constant 12 : i32
    %scan3A_42 = arith.addi %scan3A_40, %scan3A_41 : i32
    %scan3A_43 = arith.constant 1 : i32
    scf.for %scan3A_120 = %scan3A_40 to %scan3A_42 step %scan3A_43  : i32 {
      %mul3A_121 = arith.constant 2 : i32
      %mul3A_122 = arith.muli %mul3A_121, %scan3A_120 : i32
      %dma_wait3A_123 = arith.constant 0 : i32
      %dma_wait3A_124 = tpu.memref_slice %arg7[%dma_wait3A_123] : memref<320000xi32, #tpu.memory_space<hbm>> -> memref<400xi32, #tpu.memory_space<hbm>>
      %dma_wait3A_125 = arith.constant 0 : i32
      %dma_wait3A_126 = tpu.memref_slice %arg7[%dma_wait3A_125] : memref<320000xi32, #tpu.memory_space<hbm>> -> memref<400xi32, #tpu.memory_space<hbm>>
      tpu.wait_dma2 semaphore(%arg32 : memref<!tpu.dma_semaphore, #tpu.memory_space<semaphore_mem>>) src(%dma_wait3A_126 : memref<400xi32, #tpu.memory_space<hbm>>) dst(%arg13 : memref<400xi32, #tpu.memory_space<vmem>>)
      %dma_wait3A_127 = arith.constant 0 : i32
      %dma_wait3A_128 = tpu.memref_slice %arg7[%dma_wait3A_127] : memref<320000xi32, #tpu.memory_space<hbm>> -> memref<400xi32, #tpu.memory_space<hbm>>
      %dma_wait3A_129 = arith.constant 0 : i32
      %dma_wait3A_130 = tpu.memref_slice %arg7[%dma_wait3A_129] : memref<320000xi32, #tpu.memory_space<hbm>> -> memref<400xi32, #tpu.memory_space<hbm>>
      tpu.wait_dma2 semaphore(%arg32 : memref<!tpu.dma_semaphore, #tpu.memory_space<semaphore_mem>>) src(%dma_wait3A_130 : memref<400xi32, #tpu.memory_space<hbm>>) dst(%arg14 : memref<400xi32, #tpu.memory_space<vmem>>)
      %gt3A = arith.constant 0 : i32
      %gt3A_131 = arith.cmpi sgt, %scan3A_120, %gt3A : i32
      %convert_element_type3A = arith.extui %gt3A_131 : i1 to i32
      %cond3A = arith.constant 0 : i32
      %cond3A_132 = arith.cmpi ne, %convert_element_type3A, %cond3A : i32
      scf.if %cond3A_132 {
        %dma_wait3A_319 = arith.constant 0 : i32
        %dma_wait3A_320 = arith.constant 0 : i32
        %dma_wait3A_321 = tpu.memref_slice %arg9[%dma_wait3A_319, %dma_wait3A_320] : memref<320000x128xf32, #tpu.memory_space<hbm>> -> memref<400x128xf32, #tpu.memory_space<hbm>>
        %dma_wait3A_322 = arith.constant 0 : i32
        %dma_wait3A_323 = arith.constant 0 : i32
        %dma_wait3A_324 = tpu.memref_slice %arg9[%dma_wait3A_322, %dma_wait3A_323] : memref<320000x128xf32, #tpu.memory_space<hbm>> -> memref<400x128xf32, #tpu.memory_space<hbm>>
        tpu.wait_dma2 semaphore(%arg38 : memref<!tpu.dma_semaphore, #tpu.memory_space<semaphore_mem>>) src(%arg16 : memref<400x128xf32, #tpu.memory_space<vmem>>) dst(%dma_wait3A_324 : memref<400x128xf32, #tpu.memory_space<hbm>>)
        %dma_wait3A_325 = arith.constant 0 : i32
        %dma_wait3A_326 = tpu.memref_slice %arg10[%dma_wait3A_325] : memref<320000xf32, #tpu.memory_space<hbm>> -> memref<400xf32, #tpu.memory_space<hbm>>
        %dma_wait3A_327 = arith.constant 0 : i32
        %dma_wait3A_328 = tpu.memref_slice %arg10[%dma_wait3A_327] : memref<320000xf32, #tpu.memory_space<hbm>> -> memref<400xf32, #tpu.memory_space<hbm>>
        tpu.wait_dma2 semaphore(%arg38 : memref<!tpu.dma_semaphore, #tpu.memory_space<semaphore_mem>>) src(%arg30 : memref<400xf32, #tpu.memory_space<vmem>>) dst(%dma_wait3A_328 : memref<400xf32, #tpu.memory_space<hbm>>)
      } else {
      }
      %add3A_133 = arith.constant 1 : i32
      %add3A_134 = arith.addi %mul3A_122, %add3A_133 : i32
      %dma_start3A_135 = arith.constant 0 : i32
      %dma_start3A_136 = arith.constant 0 : i32
      %dma_start3A_137 = tpu.memref_slice %arg2[%dma_start3A_135, %dma_start3A_136] : memref<10000x128xf32, #tpu.memory_space<hbm>> -> memref<10000x128xf32, #tpu.memory_space<hbm>>
      tpu.enqueue_indirect_dma source(%dma_start3A_137 : memref<10000x128xf32, #tpu.memory_space<hbm>>) target(%arg16 : memref<400x128xf32, #tpu.memory_space<vmem>>) offsets(%arg14 : memref<400xi32, #tpu.memory_space<vmem>>) semaphore(%arg34 : memref<!tpu.dma_semaphore, #tpu.memory_space<semaphore_mem>>)
      %dma_start3A_138 = arith.constant 0 : i32
      %dma_start3A_139 = tpu.memref_slice %arg4[%dma_start3A_138] : memref<10000xf32, #tpu.memory_space<hbm>> -> memref<10000xf32, #tpu.memory_space<hbm>>
      tpu.enqueue_indirect_dma source(%dma_start3A_139 : memref<10000xf32, #tpu.memory_space<hbm>>) target(%arg23 : memref<400xf32, #tpu.memory_space<vmem>>) offsets(%arg14 : memref<400xi32, #tpu.memory_space<vmem>>) semaphore(%arg36 : memref<!tpu.dma_semaphore, #tpu.memory_space<semaphore_mem>>)
      %dma_start3A_140 = arith.constant 0 : i32
      %dma_start3A_141 = tpu.memref_slice %arg5[%dma_start3A_140] : memref<10000xf32, #tpu.memory_space<hbm>> -> memref<10000xf32, #tpu.memory_space<hbm>>
      tpu.enqueue_indirect_dma source(%dma_start3A_141 : memref<10000xf32, #tpu.memory_space<hbm>>) target(%arg24 : memref<400xf32, #tpu.memory_space<vmem>>) offsets(%arg14 : memref<400xi32, #tpu.memory_space<vmem>>) semaphore(%arg36 : memref<!tpu.dma_semaphore, #tpu.memory_space<semaphore_mem>>)
      %dma_start3A_142 = arith.constant 0 : i32
      %dma_start3A_143 = tpu.memref_slice %arg6[%dma_start3A_142] : memref<10000xf32, #tpu.memory_space<hbm>> -> memref<10000xf32, #tpu.memory_space<hbm>>
      tpu.enqueue_indirect_dma source(%dma_start3A_143 : memref<10000xf32, #tpu.memory_space<hbm>>) target(%arg25 : memref<400xf32, #tpu.memory_space<vmem>>) offsets(%arg14 : memref<400xi32, #tpu.memory_space<vmem>>) semaphore(%arg36 : memref<!tpu.dma_semaphore, #tpu.memory_space<semaphore_mem>>)
      %dma_start3A_144 = arith.constant 0 : i32
      %dma_start3A_145 = tpu.memref_slice %arg4[%dma_start3A_144] : memref<10000xf32, #tpu.memory_space<hbm>> -> memref<10000xf32, #tpu.memory_space<hbm>>
      tpu.enqueue_indirect_dma source(%dma_start3A_145 : memref<10000xf32, #tpu.memory_space<hbm>>) target(%arg26 : memref<400xf32, #tpu.memory_space<vmem>>) offsets(%arg13 : memref<400xi32, #tpu.memory_space<vmem>>) semaphore(%arg36 : memref<!tpu.dma_semaphore, #tpu.memory_space<semaphore_mem>>)
      %dma_start3A_146 = arith.constant 0 : i32
      %dma_start3A_147 = tpu.memref_slice %arg5[%dma_start3A_146] : memref<10000xf32, #tpu.memory_space<hbm>> -> memref<10000xf32, #tpu.memory_space<hbm>>
      tpu.enqueue_indirect_dma source(%dma_start3A_147 : memref<10000xf32, #tpu.memory_space<hbm>>) target(%arg27 : memref<400xf32, #tpu.memory_space<vmem>>) offsets(%arg13 : memref<400xi32, #tpu.memory_space<vmem>>) semaphore(%arg36 : memref<!tpu.dma_semaphore, #tpu.memory_space<semaphore_mem>>)
      %dma_start3A_148 = arith.constant 0 : i32
      %dma_start3A_149 = tpu.memref_slice %arg6[%dma_start3A_148] : memref<10000xf32, #tpu.memory_space<hbm>> -> memref<10000xf32, #tpu.memory_space<hbm>>
      tpu.enqueue_indirect_dma source(%dma_start3A_149 : memref<10000xf32, #tpu.memory_space<hbm>>) target(%arg28 : memref<400xf32, #tpu.memory_space<vmem>>) offsets(%arg13 : memref<400xi32, #tpu.memory_space<vmem>>) semaphore(%arg36 : memref<!tpu.dma_semaphore, #tpu.memory_space<semaphore_mem>>)
      %dma_wait3A_150 = arith.constant 0 : i32
      %dma_wait3A_151 = arith.constant 0 : i32
      %dma_wait3A_152 = tpu.memref_slice %arg9[%dma_wait3A_150, %dma_wait3A_151] : memref<320000x128xf32, #tpu.memory_space<hbm>> -> memref<400x128xf32, #tpu.memory_space<hbm>>
      %dma_wait3A_153 = arith.constant 0 : i32
      %dma_wait3A_154 = arith.constant 0 : i32
      %dma_wait3A_155 = tpu.memref_slice %arg9[%dma_wait3A_153, %dma_wait3A_154] : memref<320000x128xf32, #tpu.memory_space<hbm>> -> memref<400x128xf32, #tpu.memory_space<hbm>>
      tpu.wait_dma2 semaphore(%arg33 : memref<!tpu.dma_semaphore, #tpu.memory_space<semaphore_mem>>) src(%dma_wait3A_155 : memref<400x128xf32, #tpu.memory_space<hbm>>) dst(%arg15 : memref<400x128xf32, #tpu.memory_space<vmem>>)
      %dma_start3A_156 = arith.constant 0 : i32
      %dma_start3A_157 = arith.constant 0 : i32
      %dma_start3A_158 = tpu.memref_slice %arg3[%dma_start3A_156, %dma_start3A_157] : memref<10000x128xf32, #tpu.memory_space<hbm>> -> memref<10000x128xf32, #tpu.memory_space<hbm>>
      tpu.enqueue_indirect_dma source(%dma_start3A_158 : memref<10000x128xf32, #tpu.memory_space<hbm>>) target(%arg15 : memref<400x128xf32, #tpu.memory_space<vmem>>) offsets(%arg11 : memref<400xi32, #tpu.memory_space<vmem>>) semaphore(%arg33 : memref<!tpu.dma_semaphore, #tpu.memory_space<semaphore_mem>>) {add = true}
      %dma_wait3A_159 = arith.constant 0 : i32
      %dma_wait3A_160 = tpu.memref_slice %arg4[%dma_wait3A_159] : memref<10000xf32, #tpu.memory_space<hbm>> -> memref<400xf32, #tpu.memory_space<hbm>>
      %dma_wait3A_161 = arith.constant 0 : i32
      %dma_wait3A_162 = tpu.memref_slice %arg4[%dma_wait3A_161] : memref<10000xf32, #tpu.memory_space<hbm>> -> memref<400xf32, #tpu.memory_space<hbm>>
      tpu.wait_dma2 semaphore(%arg35 : memref<!tpu.dma_semaphore, #tpu.memory_space<semaphore_mem>>) src(%dma_wait3A_162 : memref<400xf32, #tpu.memory_space<hbm>>) dst(%arg17 : memref<400xf32, #tpu.memory_space<vmem>>)
      %dma_wait3A_163 = arith.constant 0 : i32
      %dma_wait3A_164 = tpu.memref_slice %arg4[%dma_wait3A_163] : memref<10000xf32, #tpu.memory_space<hbm>> -> memref<400xf32, #tpu.memory_space<hbm>>
      %dma_wait3A_165 = arith.constant 0 : i32
      %dma_wait3A_166 = tpu.memref_slice %arg4[%dma_wait3A_165] : memref<10000xf32, #tpu.memory_space<hbm>> -> memref<400xf32, #tpu.memory_space<hbm>>
      tpu.wait_dma2 semaphore(%arg35 : memref<!tpu.dma_semaphore, #tpu.memory_space<semaphore_mem>>) src(%dma_wait3A_166 : memref<400xf32, #tpu.memory_space<hbm>>) dst(%arg18 : memref<400xf32, #tpu.memory_space<vmem>>)
      %dma_wait3A_167 = arith.constant 0 : i32
      %dma_wait3A_168 = tpu.memref_slice %arg4[%dma_wait3A_167] : memref<10000xf32, #tpu.memory_space<hbm>> -> memref<400xf32, #tpu.memory_space<hbm>>
      %dma_wait3A_169 = arith.constant 0 : i32
      %dma_wait3A_170 = tpu.memref_slice %arg4[%dma_wait3A_169] : memref<10000xf32, #tpu.memory_space<hbm>> -> memref<400xf32, #tpu.memory_space<hbm>>
      tpu.wait_dma2 semaphore(%arg35 : memref<!tpu.dma_semaphore, #tpu.memory_space<semaphore_mem>>) src(%dma_wait3A_170 : memref<400xf32, #tpu.memory_space<hbm>>) dst(%arg19 : memref<400xf32, #tpu.memory_space<vmem>>)
      %dma_wait3A_171 = arith.constant 0 : i32
      %dma_wait3A_172 = tpu.memref_slice %arg4[%dma_wait3A_171] : memref<10000xf32, #tpu.memory_space<hbm>> -> memref<400xf32, #tpu.memory_space<hbm>>
      %dma_wait3A_173 = arith.constant 0 : i32
      %dma_wait3A_174 = tpu.memref_slice %arg4[%dma_wait3A_173] : memref<10000xf32, #tpu.memory_space<hbm>> -> memref<400xf32, #tpu.memory_space<hbm>>
      tpu.wait_dma2 semaphore(%arg35 : memref<!tpu.dma_semaphore, #tpu.memory_space<semaphore_mem>>) src(%dma_wait3A_174 : memref<400xf32, #tpu.memory_space<hbm>>) dst(%arg20 : memref<400xf32, #tpu.memory_space<vmem>>)
      %dma_wait3A_175 = arith.constant 0 : i32
      %dma_wait3A_176 = tpu.memref_slice %arg4[%dma_wait3A_175] : memref<10000xf32, #tpu.memory_space<hbm>> -> memref<400xf32, #tpu.memory_space<hbm>>
      %dma_wait3A_177 = arith.constant 0 : i32
      %dma_wait3A_178 = tpu.memref_slice %arg4[%dma_wait3A_177] : memref<10000xf32, #tpu.memory_space<hbm>> -> memref<400xf32, #tpu.memory_space<hbm>>
      tpu.wait_dma2 semaphore(%arg35 : memref<!tpu.dma_semaphore, #tpu.memory_space<semaphore_mem>>) src(%dma_wait3A_178 : memref<400xf32, #tpu.memory_space<hbm>>) dst(%arg21 : memref<400xf32, #tpu.memory_space<vmem>>)
      %dma_wait3A_179 = arith.constant 0 : i32
      %dma_wait3A_180 = tpu.memref_slice %arg4[%dma_wait3A_179] : memref<10000xf32, #tpu.memory_space<hbm>> -> memref<400xf32, #tpu.memory_space<hbm>>
      %dma_wait3A_181 = arith.constant 0 : i32
      %dma_wait3A_182 = tpu.memref_slice %arg4[%dma_wait3A_181] : memref<10000xf32, #tpu.memory_space<hbm>> -> memref<400xf32, #tpu.memory_space<hbm>>
      tpu.wait_dma2 semaphore(%arg35 : memref<!tpu.dma_semaphore, #tpu.memory_space<semaphore_mem>>) src(%dma_wait3A_182 : memref<400xf32, #tpu.memory_space<hbm>>) dst(%arg22 : memref<400xf32, #tpu.memory_space<vmem>>)
      %scan3A_183 = arith.constant 0 : i32
      %scan3A_184 = arith.constant 0 : i32
      %scan3A_185 = arith.constant 25 : i32
      %scan3A_186 = arith.addi %scan3A_184, %scan3A_185 : i32
      %scan3A_187 = arith.constant 1 : i32
      scf.for %scan3A_319 = %scan3A_184 to %scan3A_186 step %scan3A_187  : i32 {
        %mul3A_320 = arith.constant 16 : i32
        %mul3A_321 = arith.muli %scan3A_319, %mul3A_320 : i32
        %get3A = arith.index_cast %mul3A_321 : i32 to index
        %get3A_322 = tpu.vector_load %arg17[%get3A] {strides = array<i32>} : memref<400xf32, #tpu.memory_space<vmem>>, vector<16xf32>,
        %get3A_323 = vector.shape_cast %get3A_322 : vector<16xf32> to vector<16xf32>
        %get3A_324 = arith.index_cast %mul3A_321 : i32 to index
        %get3A_325 = tpu.vector_load %arg20[%get3A_324] {strides = array<i32>} : memref<400xf32, #tpu.memory_space<vmem>>, vector<16xf32>,
        %get3A_326 = vector.shape_cast %get3A_325 : vector<16xf32> to vector<16xf32>
        %mul3A_327 = arith.mulf %get3A_323, %get3A_326 : vector<16xf32>
        %get3A_328 = arith.index_cast %mul3A_321 : i32 to index
        %get3A_329 = tpu.vector_load %arg18[%get3A_328] {strides = array<i32>} : memref<400xf32, #tpu.memory_space<vmem>>, vector<16xf32>,
        %get3A_330 = vector.shape_cast %get3A_329 : vector<16xf32> to vector<16xf32>
        %get3A_331 = arith.index_cast %mul3A_321 : i32 to index
        %get3A_332 = tpu.vector_load %arg21[%get3A_331] {strides = array<i32>} : memref<400xf32, #tpu.memory_space<vmem>>, vector<16xf32>,
        %get3A_333 = vector.shape_cast %get3A_332 : vector<16xf32> to vector<16xf32>
        %mul3A_334 = arith.mulf %get3A_330, %get3A_333 : vector<16xf32>
        %add3A_335 = arith.addf %mul3A_327, %mul3A_334 : vector<16xf32>
        %get3A_336 = arith.index_cast %mul3A_321 : i32 to index
        %get3A_337 = tpu.vector_load %arg19[%get3A_336] {strides = array<i32>} : memref<400xf32, #tpu.memory_space<vmem>>, vector<16xf32>,
        %get3A_338 = vector.shape_cast %get3A_337 : vector<16xf32> to vector<16xf32>
        %get3A_339 = arith.index_cast %mul3A_321 : i32 to index
        %get3A_340 = tpu.vector_load %arg22[%get3A_339] {strides = array<i32>} : memref<400xf32, #tpu.memory_space<vmem>>, vector<16xf32>,
        %get3A_341 = vector.shape_cast %get3A_340 : vector<16xf32> to vector<16xf32>
        %mul3A_342 = arith.mulf %get3A_338, %get3A_341 : vector<16xf32>
        %add3A_343 = arith.addf %add3A_335, %mul3A_342 : vector<16xf32>
        %swap3A = arith.index_cast %mul3A_321 : i32 to index
        %swap3A_344 = tpu.vector_load %arg29[%swap3A] {strides = array<i32>} : memref<400xf32, #tpu.memory_space<vmem>>, vector<16xf32>,
        %swap3A_345 = vector.shape_cast %swap3A_344 : vector<16xf32> to vector<16xf32>
        %swap3A_346 = vector.shape_cast %add3A_343 : vector<16xf32> to vector<16xf32>
        tpu.vector_store %arg29[%swap3A], %swap3A_346 {strides = array<i32>} : memref<400xf32, #tpu.memory_space<vmem>>, vector<16xf32>,
      }
      %scan3A_188 = arith.constant 25 : i32
      %dma_wait3A_189 = arith.constant 0 : i32
      %dma_wait3A_190 = arith.constant 0 : i32
      %dma_wait3A_191 = tpu.memref_slice %arg9[%dma_wait3A_189, %dma_wait3A_190] : memref<320000x128xf32, #tpu.memory_space<hbm>> -> memref<400x128xf32, #tpu.memory_space<hbm>>
      %dma_wait3A_192 = arith.constant 0 : i32
      %dma_wait3A_193 = arith.constant 0 : i32
      %dma_wait3A_194 = tpu.memref_slice %arg9[%dma_wait3A_192, %dma_wait3A_193] : memref<320000x128xf32, #tpu.memory_space<hbm>> -> memref<400x128xf32, #tpu.memory_space<hbm>>
      tpu.wait_dma2 semaphore(%arg33 : memref<!tpu.dma_semaphore, #tpu.memory_space<semaphore_mem>>) src(%dma_wait3A_194 : memref<400x128xf32, #tpu.memory_space<hbm>>) dst(%arg15 : memref<400x128xf32, #tpu.memory_space<vmem>>)
      %add3A_195 = arith.constant 2 : i32
      %add3A_196 = arith.addi %mul3A_122, %add3A_195 : i32
      %mul3A_197 = arith.constant 400 : i32
      %mul3A_198 = arith.muli %add3A_196, %mul3A_197 : i32
      %add3A_199 = arith.addi %mul3A_2, %mul3A_198 : i32
      %dma_start3A_200 = tpu.memref_slice %arg7[%add3A_199] : memref<320000xi32, #tpu.memory_space<hbm>> -> memref<400xi32, #tpu.memory_space<hbm>>
      %dma_start3A_201 = tpu.memref_slice %arg7[%add3A_199] : memref<320000xi32, #tpu.memory_space<hbm>> -> memref<400xi32, #tpu.memory_space<hbm>>
      tpu.enqueue_dma source(%dma_start3A_201 : memref<400xi32, #tpu.memory_space<hbm>>) target(%arg11 : memref<400xi32, #tpu.memory_space<vmem>>) target_semaphore(%arg31 : memref<!tpu.dma_semaphore, #tpu.memory_space<semaphore_mem>>)
      %mul3A_202 = arith.constant 400 : i32
      %mul3A_203 = arith.muli %add3A_196, %mul3A_202 : i32
      %add3A_204 = arith.addi %mul3A_2, %mul3A_203 : i32
      %dma_start3A_205 = tpu.memref_slice %arg8[%add3A_204] : memref<320000xi32, #tpu.memory_space<hbm>> -> memref<400xi32, #tpu.memory_space<hbm>>
      %dma_start3A_206 = tpu.memref_slice %arg8[%add3A_204] : memref<320000xi32, #tpu.memory_space<hbm>> -> memref<400xi32, #tpu.memory_space<hbm>>
      tpu.enqueue_dma source(%dma_start3A_206 : memref<400xi32, #tpu.memory_space<hbm>>) target(%arg12 : memref<400xi32, #tpu.memory_space<vmem>>) target_semaphore(%arg31 : memref<!tpu.dma_semaphore, #tpu.memory_space<semaphore_mem>>)
      %mul3A_207 = arith.constant 400 : i32
      %mul3A_208 = arith.muli %mul3A_122, %mul3A_207 : i32
      %add3A_209 = arith.addi %mul3A_2, %mul3A_208 : i32
      %dma_start3A_210 = arith.constant 0 : i32
      %dma_start3A_211 = tpu.memref_slice %arg9[%add3A_209, %dma_start3A_210] : memref<320000x128xf32, #tpu.memory_space<hbm>> -> memref<400x128xf32, #tpu.memory_space<hbm>>
      %dma_start3A_212 = arith.constant 0 : i32
      %dma_start3A_213 = tpu.memref_slice %arg9[%add3A_209, %dma_start3A_212] : memref<320000x128xf32, #tpu.memory_space<hbm>> -> memref<400x128xf32, #tpu.memory_space<hbm>>
      tpu.enqueue_dma source(%arg15 : memref<400x128xf32, #tpu.memory_space<vmem>>) target(%dma_start3A_213 : memref<400x128xf32, #tpu.memory_space<hbm>>) target_semaphore(%arg37 : memref<!tpu.dma_semaphore, #tpu.memory_space<semaphore_mem>>)
      %mul3A_214 = arith.constant 400 : i32
      %mul3A_215 = arith.muli %mul3A_122, %mul3A_214 : i32
      %add3A_216 = arith.addi %mul3A_2, %mul3A_215 : i32
      %dma_start3A_217 = tpu.memref_slice %arg10[%add3A_216] : memref<320000xf32, #tpu.memory_space<hbm>> -> memref<400xf32, #tpu.memory_space<hbm>>
      %dma_start3A_218 = tpu.memref_slice %arg10[%add3A_216] : memref<320000xf32, #tpu.memory_space<hbm>> -> memref<400xf32, #tpu.memory_space<hbm>>
      tpu.enqueue_dma source(%arg29 : memref<400xf32, #tpu.memory_space<vmem>>) target(%dma_start3A_218 : memref<400xf32, #tpu.memory_space<hbm>>) target_semaphore(%arg37 : memref<!tpu.dma_semaphore, #tpu.memory_space<semaphore_mem>>)
      %dma_wait3A_219 = arith.constant 0 : i32
      %dma_wait3A_220 = tpu.memref_slice %arg7[%dma_wait3A_219] : memref<320000xi32, #tpu.memory_space<hbm>> -> memref<400xi32, #tpu.memory_space<hbm>>
      %dma_wait3A_221 = arith.constant 0 : i32
      %dma_wait3A_222 = tpu.memref_slice %arg7[%dma_wait3A_221] : memref<320000xi32, #tpu.memory_space<hbm>> -> memref<400xi32, #tpu.memory_space<hbm>>
      tpu.wait_dma2 semaphore(%arg31 : memref<!tpu.dma_semaphore, #tpu.memory_space<semaphore_mem>>) src(%dma_wait3A_222 : memref<400xi32, #tpu.memory_space<hbm>>) dst(%arg11 : memref<400xi32, #tpu.memory_space<vmem>>)
      %dma_wait3A_223 = arith.constant 0 : i32
      %dma_wait3A_224 = tpu.memref_slice %arg7[%dma_wait3A_223] : memref<320000xi32, #tpu.memory_space<hbm>> -> memref<400xi32, #tpu.memory_space<hbm>>
      %dma_wait3A_225 = arith.constant 0 : i32
      %dma_wait3A_226 = tpu.memref_slice %arg7[%dma_wait3A_225] : memref<320000xi32, #tpu.memory_space<hbm>> -> memref<400xi32, #tpu.memory_space<hbm>>
      tpu.wait_dma2 semaphore(%arg31 : memref<!tpu.dma_semaphore, #tpu.memory_space<semaphore_mem>>) src(%dma_wait3A_226 : memref<400xi32, #tpu.memory_space<hbm>>) dst(%arg12 : memref<400xi32, #tpu.memory_space<vmem>>)
      %dma_wait3A_227 = arith.constant 0 : i32
      %dma_wait3A_228 = arith.constant 0 : i32
      %dma_wait3A_229 = tpu.memref_slice %arg9[%dma_wait3A_227, %dma_wait3A_228] : memref<320000x128xf32, #tpu.memory_space<hbm>> -> memref<400x128xf32, #tpu.memory_space<hbm>>
      %dma_wait3A_230 = arith.constant 0 : i32
      %dma_wait3A_231 = arith.constant 0 : i32
      %dma_wait3A_232 = tpu.memref_slice %arg9[%dma_wait3A_230, %dma_wait3A_231] : memref<320000x128xf32, #tpu.memory_space<hbm>> -> memref<400x128xf32, #tpu.memory_space<hbm>>
      tpu.wait_dma2 semaphore(%arg37 : memref<!tpu.dma_semaphore, #tpu.memory_space<semaphore_mem>>) src(%arg15 : memref<400x128xf32, #tpu.memory_space<vmem>>) dst(%dma_wait3A_232 : memref<400x128xf32, #tpu.memory_space<hbm>>)
      %dma_wait3A_233 = arith.constant 0 : i32
      %dma_wait3A_234 = tpu.memref_slice %arg10[%dma_wait3A_233] : memref<320000xf32, #tpu.memory_space<hbm>> -> memref<400xf32, #tpu.memory_space<hbm>>
      %dma_wait3A_235 = arith.constant 0 : i32
      %dma_wait3A_236 = tpu.memref_slice %arg10[%dma_wait3A_235] : memref<320000xf32, #tpu.memory_space<hbm>> -> memref<400xf32, #tpu.memory_space<hbm>>
      tpu.wait_dma2 semaphore(%arg37 : memref<!tpu.dma_semaphore, #tpu.memory_space<semaphore_mem>>) src(%arg29 : memref<400xf32, #tpu.memory_space<vmem>>) dst(%dma_wait3A_236 : memref<400xf32, #tpu.memory_space<hbm>>)
      %add3A_237 = arith.constant 2 : i32
      %add3A_238 = arith.addi %mul3A_122, %add3A_237 : i32
      %dma_start3A_239 = arith.constant 0 : i32
      %dma_start3A_240 = arith.constant 0 : i32
      %dma_start3A_241 = tpu.memref_slice %arg2[%dma_start3A_239, %dma_start3A_240] : memref<10000x128xf32, #tpu.memory_space<hbm>> -> memref<10000x128xf32, #tpu.memory_space<hbm>>
      tpu.enqueue_indirect_dma source(%dma_start3A_241 : memref<10000x128xf32, #tpu.memory_space<hbm>>) target(%arg15 : memref<400x128xf32, #tpu.memory_space<vmem>>) offsets(%arg12 : memref<400xi32, #tpu.memory_space<vmem>>) semaphore(%arg33 : memref<!tpu.dma_semaphore, #tpu.memory_space<semaphore_mem>>)
      %dma_start3A_242 = arith.constant 0 : i32
      %dma_start3A_243 = tpu.memref_slice %arg4[%dma_start3A_242] : memref<10000xf32, #tpu.memory_space<hbm>> -> memref<10000xf32, #tpu.memory_space<hbm>>
      tpu.enqueue_indirect_dma source(%dma_start3A_243 : memref<10000xf32, #tpu.memory_space<hbm>>) target(%arg17 : memref<400xf32, #tpu.memory_space<vmem>>) offsets(%arg12 : memref<400xi32, #tpu.memory_space<vmem>>) semaphore(%arg35 : memref<!tpu.dma_semaphore, #tpu.memory_space<semaphore_mem>>)
      %dma_start3A_244 = arith.constant 0 : i32
      %dma_start3A_245 = tpu.memref_slice %arg5[%dma_start3A_244] : memref<10000xf32, #tpu.memory_space<hbm>> -> memref<10000xf32, #tpu.memory_space<hbm>>
      tpu.enqueue_indirect_dma source(%dma_start3A_245 : memref<10000xf32, #tpu.memory_space<hbm>>) target(%arg18 : memref<400xf32, #tpu.memory_space<vmem>>) offsets(%arg12 : memref<400xi32, #tpu.memory_space<vmem>>) semaphore(%arg35 : memref<!tpu.dma_semaphore, #tpu.memory_space<semaphore_mem>>)
      %dma_start3A_246 = arith.constant 0 : i32
      %dma_start3A_247 = tpu.memref_slice %arg6[%dma_start3A_246] : memref<10000xf32, #tpu.memory_space<hbm>> -> memref<10000xf32, #tpu.memory_space<hbm>>
      tpu.enqueue_indirect_dma source(%dma_start3A_247 : memref<10000xf32, #tpu.memory_space<hbm>>) target(%arg19 : memref<400xf32, #tpu.memory_space<vmem>>) offsets(%arg12 : memref<400xi32, #tpu.memory_space<vmem>>) semaphore(%arg35 : memref<!tpu.dma_semaphore, #tpu.memory_space<semaphore_mem>>)
      %dma_start3A_248 = arith.constant 0 : i32
      %dma_start3A_249 = tpu.memref_slice %arg4[%dma_start3A_248] : memref<10000xf32, #tpu.memory_space<hbm>> -> memref<10000xf32, #tpu.memory_space<hbm>>
      tpu.enqueue_indirect_dma source(%dma_start3A_249 : memref<10000xf32, #tpu.memory_space<hbm>>) target(%arg20 : memref<400xf32, #tpu.memory_space<vmem>>) offsets(%arg11 : memref<400xi32, #tpu.memory_space<vmem>>) semaphore(%arg35 : memref<!tpu.dma_semaphore, #tpu.memory_space<semaphore_mem>>)
      %dma_start3A_250 = arith.constant 0 : i32
      %dma_start3A_251 = tpu.memref_slice %arg5[%dma_start3A_250] : memref<10000xf32, #tpu.memory_space<hbm>> -> memref<10000xf32, #tpu.memory_space<hbm>>
      tpu.enqueue_indirect_dma source(%dma_start3A_251 : memref<10000xf32, #tpu.memory_space<hbm>>) target(%arg21 : memref<400xf32, #tpu.memory_space<vmem>>) offsets(%arg11 : memref<400xi32, #tpu.memory_space<vmem>>) semaphore(%arg35 : memref<!tpu.dma_semaphore, #tpu.memory_space<semaphore_mem>>)
      %dma_start3A_252 = arith.constant 0 : i32
      %dma_start3A_253 = tpu.memref_slice %arg6[%dma_start3A_252] : memref<10000xf32, #tpu.memory_space<hbm>> -> memref<10000xf32, #tpu.memory_space<hbm>>
      tpu.enqueue_indirect_dma source(%dma_start3A_253 : memref<10000xf32, #tpu.memory_space<hbm>>) target(%arg22 : memref<400xf32, #tpu.memory_space<vmem>>) offsets(%arg11 : memref<400xi32, #tpu.memory_space<vmem>>) semaphore(%arg35 : memref<!tpu.dma_semaphore, #tpu.memory_space<semaphore_mem>>)
      %dma_wait3A_254 = arith.constant 0 : i32
      %dma_wait3A_255 = arith.constant 0 : i32
      %dma_wait3A_256 = tpu.memref_slice %arg9[%dma_wait3A_254, %dma_wait3A_255] : memref<320000x128xf32, #tpu.memory_space<hbm>> -> memref<400x128xf32, #tpu.memory_space<hbm>>
      %dma_wait3A_257 = arith.constant 0 : i32
      %dma_wait3A_258 = arith.constant 0 : i32
      %dma_wait3A_259 = tpu.memref_slice %arg9[%dma_wait3A_257, %dma_wait3A_258] : memref<320000x128xf32, #tpu.memory_space<hbm>> -> memref<400x128xf32, #tpu.memory_space<hbm>>
      tpu.wait_dma2 semaphore(%arg34 : memref<!tpu.dma_semaphore, #tpu.memory_space<semaphore_mem>>) src(%dma_wait3A_259 : memref<400x128xf32, #tpu.memory_space<hbm>>) dst(%arg16 : memref<400x128xf32, #tpu.memory_space<vmem>>)
      %dma_start3A_260 = arith.constant 0 : i32
      %dma_start3A_261 = arith.constant 0 : i32
      %dma_start3A_262 = tpu.memref_slice %arg3[%dma_start3A_260, %dma_start3A_261] : memref<10000x128xf32, #tpu.memory_space<hbm>> -> memref<10000x128xf32, #tpu.memory_space<hbm>>
      tpu.enqueue_indirect_dma source(%dma_start3A_262 : memref<10000x128xf32, #tpu.memory_space<hbm>>) target(%arg16 : memref<400x128xf32, #tpu.memory_space<vmem>>) offsets(%arg13 : memref<400xi32, #tpu.memory_space<vmem>>) semaphore(%arg34 : memref<!tpu.dma_semaphore, #tpu.memory_space<semaphore_mem>>) {add = true}
      %dma_wait3A_263 = arith.constant 0 : i32
      %dma_wait3A_264 = tpu.memref_slice %arg4[%dma_wait3A_263] : memref<10000xf32, #tpu.memory_space<hbm>> -> memref<400xf32, #tpu.memory_space<hbm>>
      %dma_wait3A_265 = arith.constant 0 : i32
      %dma_wait3A_266 = tpu.memref_slice %arg4[%dma_wait3A_265] : memref<10000xf32, #tpu.memory_space<hbm>> -> memref<400xf32, #tpu.memory_space<hbm>>
      tpu.wait_dma2 semaphore(%arg36 : memref<!tpu.dma_semaphore, #tpu.memory_space<semaphore_mem>>) src(%dma_wait3A_266 : memref<400xf32, #tpu.memory_space<hbm>>) dst(%arg23 : memref<400xf32, #tpu.memory_space<vmem>>)
      %dma_wait3A_267 = arith.constant 0 : i32
      %dma_wait3A_268 = tpu.memref_slice %arg4[%dma_wait3A_267] : memref<10000xf32, #tpu.memory_space<hbm>> -> memref<400xf32, #tpu.memory_space<hbm>>
      %dma_wait3A_269 = arith.constant 0 : i32
      %dma_wait3A_270 = tpu.memref_slice %arg4[%dma_wait3A_269] : memref<10000xf32, #tpu.memory_space<hbm>> -> memref<400xf32, #tpu.memory_space<hbm>>
      tpu.wait_dma2 semaphore(%arg36 : memref<!tpu.dma_semaphore, #tpu.memory_space<semaphore_mem>>) src(%dma_wait3A_270 : memref<400xf32, #tpu.memory_space<hbm>>) dst(%arg24 : memref<400xf32, #tpu.memory_space<vmem>>)
      %dma_wait3A_271 = arith.constant 0 : i32
      %dma_wait3A_272 = tpu.memref_slice %arg4[%dma_wait3A_271] : memref<10000xf32, #tpu.memory_space<hbm>> -> memref<400xf32, #tpu.memory_space<hbm>>
      %dma_wait3A_273 = arith.constant 0 : i32
      %dma_wait3A_274 = tpu.memref_slice %arg4[%dma_wait3A_273] : memref<10000xf32, #tpu.memory_space<hbm>> -> memref<400xf32, #tpu.memory_space<hbm>>
      tpu.wait_dma2 semaphore(%arg36 : memref<!tpu.dma_semaphore, #tpu.memory_space<semaphore_mem>>) src(%dma_wait3A_274 : memref<400xf32, #tpu.memory_space<hbm>>) dst(%arg25 : memref<400xf32, #tpu.memory_space<vmem>>)
      %dma_wait3A_275 = arith.constant 0 : i32
      %dma_wait3A_276 = tpu.memref_slice %arg4[%dma_wait3A_275] : memref<10000xf32, #tpu.memory_space<hbm>> -> memref<400xf32, #tpu.memory_space<hbm>>
      %dma_wait3A_277 = arith.constant 0 : i32
      %dma_wait3A_278 = tpu.memref_slice %arg4[%dma_wait3A_277] : memref<10000xf32, #tpu.memory_space<hbm>> -> memref<400xf32, #tpu.memory_space<hbm>>
      tpu.wait_dma2 semaphore(%arg36 : memref<!tpu.dma_semaphore, #tpu.memory_space<semaphore_mem>>) src(%dma_wait3A_278 : memref<400xf32, #tpu.memory_space<hbm>>) dst(%arg26 : memref<400xf32, #tpu.memory_space<vmem>>)
      %dma_wait3A_279 = arith.constant 0 : i32
      %dma_wait3A_280 = tpu.memref_slice %arg4[%dma_wait3A_279] : memref<10000xf32, #tpu.memory_space<hbm>> -> memref<400xf32, #tpu.memory_space<hbm>>
      %dma_wait3A_281 = arith.constant 0 : i32
      %dma_wait3A_282 = tpu.memref_slice %arg4[%dma_wait3A_281] : memref<10000xf32, #tpu.memory_space<hbm>> -> memref<400xf32, #tpu.memory_space<hbm>>
      tpu.wait_dma2 semaphore(%arg36 : memref<!tpu.dma_semaphore, #tpu.memory_space<semaphore_mem>>) src(%dma_wait3A_282 : memref<400xf32, #tpu.memory_space<hbm>>) dst(%arg27 : memref<400xf32, #tpu.memory_space<vmem>>)
      %dma_wait3A_283 = arith.constant 0 : i32
      %dma_wait3A_284 = tpu.memref_slice %arg4[%dma_wait3A_283] : memref<10000xf32, #tpu.memory_space<hbm>> -> memref<400xf32, #tpu.memory_space<hbm>>
      %dma_wait3A_285 = arith.constant 0 : i32
      %dma_wait3A_286 = tpu.memref_slice %arg4[%dma_wait3A_285] : memref<10000xf32, #tpu.memory_space<hbm>> -> memref<400xf32, #tpu.memory_space<hbm>>
      tpu.wait_dma2 semaphore(%arg36 : memref<!tpu.dma_semaphore, #tpu.memory_space<semaphore_mem>>) src(%dma_wait3A_286 : memref<400xf32, #tpu.memory_space<hbm>>) dst(%arg28 : memref<400xf32, #tpu.memory_space<vmem>>)
      %scan3A_287 = arith.constant 0 : i32
      %scan3A_288 = arith.constant 0 : i32
      %scan3A_289 = arith.constant 25 : i32
      %scan3A_290 = arith.addi %scan3A_288, %scan3A_289 : i32
      %scan3A_291 = arith.constant 1 : i32
      scf.for %scan3A_319 = %scan3A_288 to %scan3A_290 step %scan3A_291  : i32 {
        %mul3A_320 = arith.constant 16 : i32
        %mul3A_321 = arith.muli %scan3A_319, %mul3A_320 : i32
        %get3A = arith.index_cast %mul3A_321 : i32 to index
        %get3A_322 = tpu.vector_load %arg23[%get3A] {strides = array<i32>} : memref<400xf32, #tpu.memory_space<vmem>>, vector<16xf32>,
        %get3A_323 = vector.shape_cast %get3A_322 : vector<16xf32> to vector<16xf32>
        %get3A_324 = arith.index_cast %mul3A_321 : i32 to index
        %get3A_325 = tpu.vector_load %arg26[%get3A_324] {strides = array<i32>} : memref<400xf32, #tpu.memory_space<vmem>>, vector<16xf32>,
        %get3A_326 = vector.shape_cast %get3A_325 : vector<16xf32> to vector<16xf32>
        %mul3A_327 = arith.mulf %get3A_323, %get3A_326 : vector<16xf32>
        %get3A_328 = arith.index_cast %mul3A_321 : i32 to index
        %get3A_329 = tpu.vector_load %arg24[%get3A_328] {strides = array<i32>} : memref<400xf32, #tpu.memory_space<vmem>>, vector<16xf32>,
        %get3A_330 = vector.shape_cast %get3A_329 : vector<16xf32> to vector<16xf32>
        %get3A_331 = arith.index_cast %mul3A_321 : i32 to index
        %get3A_332 = tpu.vector_load %arg27[%get3A_331] {strides = array<i32>} : memref<400xf32, #tpu.memory_space<vmem>>, vector<16xf32>,
        %get3A_333 = vector.shape_cast %get3A_332 : vector<16xf32> to vector<16xf32>
        %mul3A_334 = arith.mulf %get3A_330, %get3A_333 : vector<16xf32>
        %add3A_335 = arith.addf %mul3A_327, %mul3A_334 : vector<16xf32>
        %get3A_336 = arith.index_cast %mul3A_321 : i32 to index
        %get3A_337 = tpu.vector_load %arg25[%get3A_336] {strides = array<i32>} : memref<400xf32, #tpu.memory_space<vmem>>, vector<16xf32>,
        %get3A_338 = vector.shape_cast %get3A_337 : vector<16xf32> to vector<16xf32>
        %get3A_339 = arith.index_cast %mul3A_321 : i32 to index
        %get3A_340 = tpu.vector_load %arg28[%get3A_339] {strides = array<i32>} : memref<400xf32, #tpu.memory_space<vmem>>, vector<16xf32>,
        %get3A_341 = vector.shape_cast %get3A_340 : vector<16xf32> to vector<16xf32>
        %mul3A_342 = arith.mulf %get3A_338, %get3A_341 : vector<16xf32>
        %add3A_343 = arith.addf %add3A_335, %mul3A_342 : vector<16xf32>
        %swap3A = arith.index_cast %mul3A_321 : i32 to index
        %swap3A_344 = tpu.vector_load %arg30[%swap3A] {strides = array<i32>} : memref<400xf32, #tpu.memory_space<vmem>>, vector<16xf32>,
        %swap3A_345 = vector.shape_cast %swap3A_344 : vector<16xf32> to vector<16xf32>
        %swap3A_346 = vector.shape_cast %add3A_343 : vector<16xf32> to vector<16xf32>
        tpu.vector_store %arg30[%swap3A], %swap3A_346 {strides = array<i32>} : memref<400xf32, #tpu.memory_space<vmem>>, vector<16xf32>,
      }
      %scan3A_292 = arith.constant 25 : i32
      %dma_wait3A_293 = arith.constant 0 : i32
      %dma_wait3A_294 = arith.constant 0 : i32
      %dma_wait3A_295 = tpu.memref_slice %arg9[%dma_wait3A_293, %dma_wait3A_294] : memref<320000x128xf32, #tpu.memory_space<hbm>> -> memref<400x128xf32, #tpu.memory_space<hbm>>
      %dma_wait3A_296 = arith.constant 0 : i32
      %dma_wait3A_297 = arith.constant 0 : i32
      %dma_wait3A_298 = tpu.memref_slice %arg9[%dma_wait3A_296, %dma_wait3A_297] : memref<320000x128xf32, #tpu.memory_space<hbm>> -> memref<400x128xf32, #tpu.memory_space<hbm>>
      tpu.wait_dma2 semaphore(%arg34 : memref<!tpu.dma_semaphore, #tpu.memory_space<semaphore_mem>>) src(%dma_wait3A_298 : memref<400x128xf32, #tpu.memory_space<hbm>>) dst(%arg16 : memref<400x128xf32, #tpu.memory_space<vmem>>)
      %lt3A = arith.constant 11 : i32
      %lt3A_299 = arith.cmpi slt, %scan3A_120, %lt3A : i32
      %convert_element_type3A_300 = arith.extui %lt3A_299 : i1 to i32
      %cond3A_301 = arith.constant 0 : i32
      %cond3A_302 = arith.cmpi ne, %convert_element_type3A_300, %cond3A_301 : i32
      scf.if %cond3A_302 {
        %add3A_319 = arith.constant 3 : i32
        %add3A_320 = arith.addi %mul3A_122, %add3A_319 : i32
        %mul3A_321 = arith.constant 400 : i32
        %mul3A_322 = arith.muli %add3A_320, %mul3A_321 : i32
        %add3A_323 = arith.addi %mul3A_2, %mul3A_322 : i32
        %dma_start3A_324 = tpu.memref_slice %arg7[%add3A_323] : memref<320000xi32, #tpu.memory_space<hbm>> -> memref<400xi32, #tpu.memory_space<hbm>>
        %dma_start3A_325 = tpu.memref_slice %arg7[%add3A_323] : memref<320000xi32, #tpu.memory_space<hbm>> -> memref<400xi32, #tpu.memory_space<hbm>>
        tpu.enqueue_dma source(%dma_start3A_325 : memref<400xi32, #tpu.memory_space<hbm>>) target(%arg13 : memref<400xi32, #tpu.memory_space<vmem>>) target_semaphore(%arg32 : memref<!tpu.dma_semaphore, #tpu.memory_space<semaphore_mem>>)
        %mul3A_326 = arith.constant 400 : i32
        %mul3A_327 = arith.muli %add3A_320, %mul3A_326 : i32
        %add3A_328 = arith.addi %mul3A_2, %mul3A_327 : i32
        %dma_start3A_329 = tpu.memref_slice %arg8[%add3A_328] : memref<320000xi32, #tpu.memory_space<hbm>> -> memref<400xi32, #tpu.memory_space<hbm>>
        %dma_start3A_330 = tpu.memref_slice %arg8[%add3A_328] : memref<320000xi32, #tpu.memory_space<hbm>> -> memref<400xi32, #tpu.memory_space<hbm>>
        tpu.enqueue_dma source(%dma_start3A_330 : memref<400xi32, #tpu.memory_space<hbm>>) target(%arg14 : memref<400xi32, #tpu.memory_space<vmem>>) target_semaphore(%arg32 : memref<!tpu.dma_semaphore, #tpu.memory_space<semaphore_mem>>)
      } else {
      }
      %add3A_303 = arith.constant 1 : i32
      %add3A_304 = arith.addi %mul3A_122, %add3A_303 : i32
      %mul3A_305 = arith.constant 400 : i32
      %mul3A_306 = arith.muli %add3A_304, %mul3A_305 : i32
      %add3A_307 = arith.addi %mul3A_2, %mul3A_306 : i32
      %dma_start3A_308 = arith.constant 0 : i32
      %dma_start3A_309 = tpu.memref_slice %arg9[%add3A_307, %dma_start3A_308] : memref<320000x128xf32, #tpu.memory_space<hbm>> -> memref<400x128xf32, #tpu.memory_space<hbm>>
      %dma_start3A_310 = arith.constant 0 : i32
      %dma_start3A_311 = tpu.memref_slice %arg9[%add3A_307, %dma_start3A_310] : memref<320000x128xf32, #tpu.memory_space<hbm>> -> memref<400x128xf32, #tpu.memory_space<hbm>>
      tpu.enqueue_dma source(%arg16 : memref<400x128xf32, #tpu.memory_space<vmem>>) target(%dma_start3A_311 : memref<400x128xf32, #tpu.memory_space<hbm>>) target_semaphore(%arg38 : memref<!tpu.dma_semaphore, #tpu.memory_space<semaphore_mem>>)
      %add3A_312 = arith.constant 1 : i32
      %add3A_313 = arith.addi %mul3A_122, %add3A_312 : i32
      %mul3A_314 = arith.constant 400 : i32
      %mul3A_315 = arith.muli %add3A_313, %mul3A_314 : i32
      %add3A_316 = arith.addi %mul3A_2, %mul3A_315 : i32
      %dma_start3A_317 = tpu.memref_slice %arg10[%add3A_316] : memref<320000xf32, #tpu.memory_space<hbm>> -> memref<400xf32, #tpu.memory_space<hbm>>
      %dma_start3A_318 = tpu.memref_slice %arg10[%add3A_316] : memref<320000xf32, #tpu.memory_space<hbm>> -> memref<400xf32, #tpu.memory_space<hbm>>
      tpu.enqueue_dma source(%arg30 : memref<400xf32, #tpu.memory_space<vmem>>) target(%dma_start3A_318 : memref<400xf32, #tpu.memory_space<hbm>>) target_semaphore(%arg38 : memref<!tpu.dma_semaphore, #tpu.memory_space<semaphore_mem>>)
    }
    %scan3A_44 = arith.constant 12 : i32
    %dma_wait3A_45 = arith.constant 0 : i32
    %dma_wait3A_46 = arith.constant 0 : i32
    %dma_wait3A_47 = tpu.memref_slice %arg9[%dma_wait3A_45, %dma_wait3A_46] : memref<320000x128xf32, #tpu.memory_space<hbm>> -> memref<400x128xf32, #tpu.memory_space<hbm>>
    %dma_wait3A_48 = arith.constant 0 : i32
    %dma_wait3A_49 = arith.constant 0 : i32
    %dma_wait3A_50 = tpu.memref_slice %arg9[%dma_wait3A_48, %dma_wait3A_49] : memref<320000x128xf32, #tpu.memory_space<hbm>> -> memref<400x128xf32, #tpu.memory_space<hbm>>
    tpu.wait_dma2 semaphore(%arg33 : memref<!tpu.dma_semaphore, #tpu.memory_space<semaphore_mem>>) src(%dma_wait3A_50 : memref<400x128xf32, #tpu.memory_space<hbm>>) dst(%arg15 : memref<400x128xf32, #tpu.memory_space<vmem>>)
    %dma_start3A_51 = arith.constant 0 : i32
    %dma_start3A_52 = arith.constant 0 : i32
    %dma_start3A_53 = tpu.memref_slice %arg3[%dma_start3A_51, %dma_start3A_52] : memref<10000x128xf32, #tpu.memory_space<hbm>> -> memref<10000x128xf32, #tpu.memory_space<hbm>>
    tpu.enqueue_indirect_dma source(%dma_start3A_53 : memref<10000x128xf32, #tpu.memory_space<hbm>>) target(%arg15 : memref<400x128xf32, #tpu.memory_space<vmem>>) offsets(%arg11 : memref<400xi32, #tpu.memory_space<vmem>>) semaphore(%arg33 : memref<!tpu.dma_semaphore, #tpu.memory_space<semaphore_mem>>) {add = true}
    %dma_wait3A_54 = arith.constant 0 : i32
    %dma_wait3A_55 = tpu.memref_slice %arg4[%dma_wait3A_54] : memref<10000xf32, #tpu.memory_space<hbm>> -> memref<400xf32, #tpu.memory_space<hbm>>
    %dma_wait3A_56 = arith.constant 0 : i32
    %dma_wait3A_57 = tpu.memref_slice %arg4[%dma_wait3A_56] : memref<10000xf32, #tpu.memory_space<hbm>> -> memref<400xf32, #tpu.memory_space<hbm>>
    tpu.wait_dma2 semaphore(%arg35 : memref<!tpu.dma_semaphore, #tpu.memory_space<semaphore_mem>>) src(%dma_wait3A_57 : memref<400xf32, #tpu.memory_space<hbm>>) dst(%arg17 : memref<400xf32, #tpu.memory_space<vmem>>)
    %dma_wait3A_58 = arith.constant 0 : i32
    %dma_wait3A_59 = tpu.memref_slice %arg4[%dma_wait3A_58] : memref<10000xf32, #tpu.memory_space<hbm>> -> memref<400xf32, #tpu.memory_space<hbm>>
    %dma_wait3A_60 = arith.constant 0 : i32
    %dma_wait3A_61 = tpu.memref_slice %arg4[%dma_wait3A_60] : memref<10000xf32, #tpu.memory_space<hbm>> -> memref<400xf32, #tpu.memory_space<hbm>>
    tpu.wait_dma2 semaphore(%arg35 : memref<!tpu.dma_semaphore, #tpu.memory_space<semaphore_mem>>) src(%dma_wait3A_61 : memref<400xf32, #tpu.memory_space<hbm>>) dst(%arg18 : memref<400xf32, #tpu.memory_space<vmem>>)
    %dma_wait3A_62 = arith.constant 0 : i32
    %dma_wait3A_63 = tpu.memref_slice %arg4[%dma_wait3A_62] : memref<10000xf32, #tpu.memory_space<hbm>> -> memref<400xf32, #tpu.memory_space<hbm>>
    %dma_wait3A_64 = arith.constant 0 : i32
    %dma_wait3A_65 = tpu.memref_slice %arg4[%dma_wait3A_64] : memref<10000xf32, #tpu.memory_space<hbm>> -> memref<400xf32, #tpu.memory_space<hbm>>
    tpu.wait_dma2 semaphore(%arg35 : memref<!tpu.dma_semaphore, #tpu.memory_space<semaphore_mem>>) src(%dma_wait3A_65 : memref<400xf32, #tpu.memory_space<hbm>>) dst(%arg19 : memref<400xf32, #tpu.memory_space<vmem>>)
    %dma_wait3A_66 = arith.constant 0 : i32
    %dma_wait3A_67 = tpu.memref_slice %arg4[%dma_wait3A_66] : memref<10000xf32, #tpu.memory_space<hbm>> -> memref<400xf32, #tpu.memory_space<hbm>>
    %dma_wait3A_68 = arith.constant 0 : i32
    %dma_wait3A_69 = tpu.memref_slice %arg4[%dma_wait3A_68] : memref<10000xf32, #tpu.memory_space<hbm>> -> memref<400xf32, #tpu.memory_space<hbm>>
    tpu.wait_dma2 semaphore(%arg35 : memref<!tpu.dma_semaphore, #tpu.memory_space<semaphore_mem>>) src(%dma_wait3A_69 : memref<400xf32, #tpu.memory_space<hbm>>) dst(%arg20 : memref<400xf32, #tpu.memory_space<vmem>>)
    %dma_wait3A_70 = arith.constant 0 : i32
    %dma_wait3A_71 = tpu.memref_slice %arg4[%dma_wait3A_70] : memref<10000xf32, #tpu.memory_space<hbm>> -> memref<400xf32, #tpu.memory_space<hbm>>
    %dma_wait3A_72 = arith.constant 0 : i32
    %dma_wait3A_73 = tpu.memref_slice %arg4[%dma_wait3A_72] : memref<10000xf32, #tpu.memory_space<hbm>> -> memref<400xf32, #tpu.memory_space<hbm>>
    tpu.wait_dma2 semaphore(%arg35 : memref<!tpu.dma_semaphore, #tpu.memory_space<semaphore_mem>>) src(%dma_wait3A_73 : memref<400xf32, #tpu.memory_space<hbm>>) dst(%arg21 : memref<400xf32, #tpu.memory_space<vmem>>)
    %dma_wait3A_74 = arith.constant 0 : i32
    %dma_wait3A_75 = tpu.memref_slice %arg4[%dma_wait3A_74] : memref<10000xf32, #tpu.memory_space<hbm>> -> memref<400xf32, #tpu.memory_space<hbm>>
    %dma_wait3A_76 = arith.constant 0 : i32
    %dma_wait3A_77 = tpu.memref_slice %arg4[%dma_wait3A_76] : memref<10000xf32, #tpu.memory_space<hbm>> -> memref<400xf32, #tpu.memory_space<hbm>>
    tpu.wait_dma2 semaphore(%arg35 : memref<!tpu.dma_semaphore, #tpu.memory_space<semaphore_mem>>) src(%dma_wait3A_77 : memref<400xf32, #tpu.memory_space<hbm>>) dst(%arg22 : memref<400xf32, #tpu.memory_space<vmem>>)
    %scan3A_78 = arith.constant 0 : i32
    %scan3A_79 = arith.constant 0 : i32
    %scan3A_80 = arith.constant 25 : i32
    %scan3A_81 = arith.addi %scan3A_79, %scan3A_80 : i32
    %scan3A_82 = arith.constant 1 : i32
    scf.for %scan3A_120 = %scan3A_79 to %scan3A_81 step %scan3A_82  : i32 {
      %mul3A_121 = arith.constant 16 : i32
      %mul3A_122 = arith.muli %scan3A_120, %mul3A_121 : i32
      %get3A = arith.index_cast %mul3A_122 : i32 to index
      %get3A_123 = tpu.vector_load %arg17[%get3A] {strides = array<i32>} : memref<400xf32, #tpu.memory_space<vmem>>, vector<16xf32>,
      %get3A_124 = vector.shape_cast %get3A_123 : vector<16xf32> to vector<16xf32>
      %get3A_125 = arith.index_cast %mul3A_122 : i32 to index
      %get3A_126 = tpu.vector_load %arg20[%get3A_125] {strides = array<i32>} : memref<400xf32, #tpu.memory_space<vmem>>, vector<16xf32>,
      %get3A_127 = vector.shape_cast %get3A_126 : vector<16xf32> to vector<16xf32>
      %mul3A_128 = arith.mulf %get3A_124, %get3A_127 : vector<16xf32>
      %get3A_129 = arith.index_cast %mul3A_122 : i32 to index
      %get3A_130 = tpu.vector_load %arg18[%get3A_129] {strides = array<i32>} : memref<400xf32, #tpu.memory_space<vmem>>, vector<16xf32>,
      %get3A_131 = vector.shape_cast %get3A_130 : vector<16xf32> to vector<16xf32>
      %get3A_132 = arith.index_cast %mul3A_122 : i32 to index
      %get3A_133 = tpu.vector_load %arg21[%get3A_132] {strides = array<i32>} : memref<400xf32, #tpu.memory_space<vmem>>, vector<16xf32>,
      %get3A_134 = vector.shape_cast %get3A_133 : vector<16xf32> to vector<16xf32>
      %mul3A_135 = arith.mulf %get3A_131, %get3A_134 : vector<16xf32>
      %add3A_136 = arith.addf %mul3A_128, %mul3A_135 : vector<16xf32>
      %get3A_137 = arith.index_cast %mul3A_122 : i32 to index
      %get3A_138 = tpu.vector_load %arg19[%get3A_137] {strides = array<i32>} : memref<400xf32, #tpu.memory_space<vmem>>, vector<16xf32>,
      %get3A_139 = vector.shape_cast %get3A_138 : vector<16xf32> to vector<16xf32>
      %get3A_140 = arith.index_cast %mul3A_122 : i32 to index
      %get3A_141 = tpu.vector_load %arg22[%get3A_140] {strides = array<i32>} : memref<400xf32, #tpu.memory_space<vmem>>, vector<16xf32>,
      %get3A_142 = vector.shape_cast %get3A_141 : vector<16xf32> to vector<16xf32>
      %mul3A_143 = arith.mulf %get3A_139, %get3A_142 : vector<16xf32>
      %add3A_144 = arith.addf %add3A_136, %mul3A_143 : vector<16xf32>
      %swap3A = arith.index_cast %mul3A_122 : i32 to index
      %swap3A_145 = tpu.vector_load %arg29[%swap3A] {strides = array<i32>} : memref<400xf32, #tpu.memory_space<vmem>>, vector<16xf32>,
      %swap3A_146 = vector.shape_cast %swap3A_145 : vector<16xf32> to vector<16xf32>
      %swap3A_147 = vector.shape_cast %add3A_144 : vector<16xf32> to vector<16xf32>
      tpu.vector_store %arg29[%swap3A], %swap3A_147 {strides = array<i32>} : memref<400xf32, #tpu.memory_space<vmem>>, vector<16xf32>,
    }
    %scan3A_83 = arith.constant 25 : i32
    %dma_wait3A_84 = arith.constant 0 : i32
    %dma_wait3A_85 = arith.constant 0 : i32
    %dma_wait3A_86 = tpu.memref_slice %arg9[%dma_wait3A_84, %dma_wait3A_85] : memref<320000x128xf32, #tpu.memory_space<hbm>> -> memref<400x128xf32, #tpu.memory_space<hbm>>
    %dma_wait3A_87 = arith.constant 0 : i32
    %dma_wait3A_88 = arith.constant 0 : i32
    %dma_wait3A_89 = tpu.memref_slice %arg9[%dma_wait3A_87, %dma_wait3A_88] : memref<320000x128xf32, #tpu.memory_space<hbm>> -> memref<400x128xf32, #tpu.memory_space<hbm>>
    tpu.wait_dma2 semaphore(%arg33 : memref<!tpu.dma_semaphore, #tpu.memory_space<semaphore_mem>>) src(%dma_wait3A_89 : memref<400x128xf32, #tpu.memory_space<hbm>>) dst(%arg15 : memref<400x128xf32, #tpu.memory_space<vmem>>)
    %dma_wait3A_90 = arith.constant 0 : i32
    %dma_wait3A_91 = arith.constant 0 : i32
    %dma_wait3A_92 = tpu.memref_slice %arg9[%dma_wait3A_90, %dma_wait3A_91] : memref<320000x128xf32, #tpu.memory_space<hbm>> -> memref<400x128xf32, #tpu.memory_space<hbm>>
    %dma_wait3A_93 = arith.constant 0 : i32
    %dma_wait3A_94 = arith.constant 0 : i32
    %dma_wait3A_95 = tpu.memref_slice %arg9[%dma_wait3A_93, %dma_wait3A_94] : memref<320000x128xf32, #tpu.memory_space<hbm>> -> memref<400x128xf32, #tpu.memory_space<hbm>>
    tpu.wait_dma2 semaphore(%arg38 : memref<!tpu.dma_semaphore, #tpu.memory_space<semaphore_mem>>) src(%arg16 : memref<400x128xf32, #tpu.memory_space<vmem>>) dst(%dma_wait3A_95 : memref<400x128xf32, #tpu.memory_space<hbm>>)
    %dma_wait3A_96 = arith.constant 0 : i32
    %dma_wait3A_97 = tpu.memref_slice %arg10[%dma_wait3A_96] : memref<320000xf32, #tpu.memory_space<hbm>> -> memref<400xf32, #tpu.memory_space<hbm>>
    %dma_wait3A_98 = arith.constant 0 : i32
    %dma_wait3A_99 = tpu.memref_slice %arg10[%dma_wait3A_98] : memref<320000xf32, #tpu.memory_space<hbm>> -> memref<400xf32, #tpu.memory_space<hbm>>
    tpu.wait_dma2 semaphore(%arg38 : memref<!tpu.dma_semaphore, #tpu.memory_space<semaphore_mem>>) src(%arg30 : memref<400xf32, #tpu.memory_space<vmem>>) dst(%dma_wait3A_99 : memref<400xf32, #tpu.memory_space<hbm>>)
    %add3A_100 = arith.constant 9600 : i32
    %add3A_101 = arith.addi %mul3A_2, %add3A_100 : i32
    %dma_start3A_102 = arith.constant 0 : i32
    %dma_start3A_103 = tpu.memref_slice %arg9[%add3A_101, %dma_start3A_102] : memref<320000x128xf32, #tpu.memory_space<hbm>> -> memref<400x128xf32, #tpu.memory_space<hbm>>
    %dma_start3A_104 = arith.constant 0 : i32
    %dma_start3A_105 = tpu.memref_slice %arg9[%add3A_101, %dma_start3A_104] : memref<320000x128xf32, #tpu.memory_space<hbm>> -> memref<400x128xf32, #tpu.memory_space<hbm>>
    tpu.enqueue_dma source(%arg15 : memref<400x128xf32, #tpu.memory_space<vmem>>) target(%dma_start3A_105 : memref<400x128xf32, #tpu.memory_space<hbm>>) target_semaphore(%arg37 : memref<!tpu.dma_semaphore, #tpu.memory_space<semaphore_mem>>)
    %add3A_106 = arith.constant 9600 : i32
    %add3A_107 = arith.addi %mul3A_2, %add3A_106 : i32
    %dma_start3A_108 = tpu.memref_slice %arg10[%add3A_107] : memref<320000xf32, #tpu.memory_space<hbm>> -> memref<400xf32, #tpu.memory_space<hbm>>
    %dma_start3A_109 = tpu.memref_slice %arg10[%add3A_107] : memref<320000xf32, #tpu.memory_space<hbm>> -> memref<400xf32, #tpu.memory_space<hbm>>
    tpu.enqueue_dma source(%arg29 : memref<400xf32, #tpu.memory_space<vmem>>) target(%dma_start3A_109 : memref<400xf32, #tpu.memory_space<hbm>>) target_semaphore(%arg37 : memref<!tpu.dma_semaphore, #tpu.memory_space<semaphore_mem>>)
    %dma_wait3A_110 = arith.constant 0 : i32
    %dma_wait3A_111 = arith.constant 0 : i32
    %dma_wait3A_112 = tpu.memref_slice %arg9[%dma_wait3A_110, %dma_wait3A_111] : memref<320000x128xf32, #tpu.memory_space<hbm>> -> memref<400x128xf32, #tpu.memory_space<hbm>>
    %dma_wait3A_113 = arith.constant 0 : i32
    %dma_wait3A_114 = arith.constant 0 : i32
    %dma_wait3A_115 = tpu.memref_slice %arg9[%dma_wait3A_113, %dma_wait3A_114] : memref<320000x128xf32, #tpu.memory_space<hbm>> -> memref<400x128xf32, #tpu.memory_space<hbm>>
    tpu.wait_dma2 semaphore(%arg37 : memref<!tpu.dma_semaphore, #tpu.memory_space<semaphore_mem>>) src(%arg15 : memref<400x128xf32, #tpu.memory_space<vmem>>) dst(%dma_wait3A_115 : memref<400x128xf32, #tpu.memory_space<hbm>>)
    %dma_wait3A_116 = arith.constant 0 : i32
    %dma_wait3A_117 = tpu.memref_slice %arg10[%dma_wait3A_116] : memref<320000xf32, #tpu.memory_space<hbm>> -> memref<400xf32, #tpu.memory_space<hbm>>
    %dma_wait3A_118 = arith.constant 0 : i32
    %dma_wait3A_119 = tpu.memref_slice %arg10[%dma_wait3A_118] : memref<320000xf32, #tpu.memory_space<hbm>> -> memref<400xf32, #tpu.memory_space<hbm>>
    tpu.wait_dma2 semaphore(%arg37 : memref<!tpu.dma_semaphore, #tpu.memory_space<semaphore_mem>>) src(%arg29 : memref<400xf32, #tpu.memory_space<vmem>>) dst(%dma_wait3A_119 : memref<400xf32, #tpu.memory_space<hbm>>)
    return
  }
}

module attributes {stable_mosaic.version = 14 : i64} {
  func.func @_prep_body(%arg0: i32, %arg1: memref<1000x128xf32, #tpu.memory_space<vmem>>, %arg2: memref<1000x16xf32, #tpu.memory_space<vmem>>, %arg3: memref<128x128xf32, #tpu.memory_space<vmem>>, %arg4: memref<128x128xf32, #tpu.memory_space<vmem>>, %arg5: memref<1x128xf32, #tpu.memory_space<vmem>>, %arg6: memref<1000x128xf32, #tpu.memory_space<vmem>>, %arg7: memref<1000x128xf32, #tpu.memory_space<vmem>>) attributes {dimension_semantics = [#tpu.dimension_semantics<arbitrary>], iteration_bounds = array<i64: 10>, scalar_prefetch = 0 : i64, scratch_operands = 0 : i64, tpu.core_type = #tpu.core_type<tc>, window_params = [{transform_indices = @transform_0, window_bounds = array<i64: 1000, 128>}, {transform_indices = @transform_1, window_bounds = array<i64: 1000, 16>}, {pipeline_mode = #tpu.pipeline_mode<synchronous>, transform_indices = @transform_2, window_bounds = array<i64: 128, 128>}, {pipeline_mode = #tpu.pipeline_mode<synchronous>, transform_indices = @transform_3, window_bounds = array<i64: 128, 128>}, {pipeline_mode = #tpu.pipeline_mode<synchronous>, transform_indices = @transform_4, window_bounds = array<i64: 1, 128>}, {transform_indices = @transform_5, window_bounds = array<i64: 1000, 128>}, {transform_indices = @transform_6, window_bounds = array<i64: 1000, 128>}]} {
    %get3A = arith.constant 0 : index
    %get3A_0 = arith.constant 0 : index
    %get3A_1 = vector.load %arg1[%get3A, %get3A_0] : memref<1000x128xf32, #tpu.memory_space<vmem>>, vector<1000x128xf32>
    %get3A_2 = arith.constant 0 : index
    %get3A_3 = arith.constant 0 : index
    %get3A_4 = vector.load %arg2[%get3A_2, %get3A_3] : memref<1000x16xf32, #tpu.memory_space<vmem>>, vector<1000x16xf32>
    %get3A_5 = arith.constant 0 : index
    %get3A_6 = arith.constant 0 : index
    %get3A_7 = vector.load %arg2[%get3A_5, %get3A_6] : memref<1000x16xf32, #tpu.memory_space<vmem>>, vector<1000x16xf32>
    %mul3A = arith.mulf %get3A_4, %get3A_7 : vector<1000x16xf32>
    %reduce_sum3A = arith.constant dense<0.000000e+00> : vector<1000xf32>
    %reduce_sum3A_8 = vector.multi_reduction <add>, %mul3A, %reduce_sum3A [1] : vector<1000x16xf32> to vector<1000xf32>
    %broadcast_in_dim3A = vector.shape_cast %reduce_sum3A_8 : vector<1000xf32> to vector<1000x1xf32>
    %get3A_9 = arith.constant 0 : index
    %get3A_10 = arith.constant 0 : index
    %get3A_11 = vector.load %arg5[%get3A_9, %get3A_10] : memref<1x128xf32, #tpu.memory_space<vmem>>, vector<1x128xf32>
    %mul3A_12 = vector.broadcast %broadcast_in_dim3A : vector<1000x1xf32> to vector<1000x128xf32>
    %mul3A_13 = vector.broadcast %get3A_11 : vector<1x128xf32> to vector<1000x128xf32>
    %mul3A_14 = arith.mulf %mul3A_12, %mul3A_13 : vector<1000x128xf32>
    %get3A_15 = arith.constant 0 : index
    %get3A_16 = arith.constant 0 : index
    %get3A_17 = vector.load %arg3[%get3A_15, %get3A_16] : memref<128x128xf32, #tpu.memory_space<vmem>>, vector<128x128xf32>
    %dot_general3A = arith.constant dense<0.000000e+00> : vector<1000x128xf32>
    %dot_general3A_18 = tpu.matmul %get3A_1, %get3A_17, %dot_general3A {dimension_numbers = #tpu.dot_dimension_numbers<[1], [0], [0], [1], [0, 0, 1, 1], [], []>, transpose_lhs_hint = false} : vector<1000x128xf32>, vector<128x128xf32>, vector<1000x128xf32> -> vector<1000x128xf32>
    %add3A = arith.addf %dot_general3A_18, %mul3A_14 : vector<1000x128xf32>
    %swap3A = arith.constant 0 : index
    %swap3A_19 = arith.constant 0 : index
    %swap3A_20 = vector.load %arg6[%swap3A, %swap3A_19] : memref<1000x128xf32, #tpu.memory_space<vmem>>, vector<1000x128xf32>
    tpu.vector_store %arg6[%swap3A, %swap3A_19], %add3A {strides = array<i32>} : memref<1000x128xf32, #tpu.memory_space<vmem>>, vector<1000x128xf32>,
    %get3A_21 = arith.constant 0 : index
    %get3A_22 = arith.constant 0 : index
    %get3A_23 = vector.load %arg4[%get3A_21, %get3A_22] : memref<128x128xf32, #tpu.memory_space<vmem>>, vector<128x128xf32>
    %dot_general3A_24 = arith.constant dense<0.000000e+00> : vector<1000x128xf32>
    %dot_general3A_25 = tpu.matmul %get3A_1, %get3A_23, %dot_general3A_24 {dimension_numbers = #tpu.dot_dimension_numbers<[1], [0], [0], [1], [0, 0, 1, 1], [], []>, transpose_lhs_hint = false} : vector<1000x128xf32>, vector<128x128xf32>, vector<1000x128xf32> -> vector<1000x128xf32>
    %add3A_26 = arith.addf %dot_general3A_25, %mul3A_14 : vector<1000x128xf32>
    %swap3A_27 = arith.constant 0 : index
    %swap3A_28 = arith.constant 0 : index
    %swap3A_29 = vector.load %arg7[%swap3A_27, %swap3A_28] : memref<1000x128xf32, #tpu.memory_space<vmem>>, vector<1000x128xf32>
    tpu.vector_store %arg7[%swap3A_27, %swap3A_28], %add3A_26 {strides = array<i32>} : memref<1000x128xf32, #tpu.memory_space<vmem>>, vector<1000x128xf32>,
    return
  }
  func.func @transform_0(%arg0: i32) -> (i32, i32) {
    %c0_i32 = arith.constant 0 : i32
    %c0_i32_0 = arith.constant 0 : i32
    return %arg0, %c0_i32 : i32, i32
  }
  func.func @transform_1(%arg0: i32) -> (i32, i32) {
    %c0_i32 = arith.constant 0 : i32
    %c0_i32_0 = arith.constant 0 : i32
    return %arg0, %c0_i32 : i32, i32
  }
  func.func @transform_2(%arg0: i32) -> (i32, i32) {
    %c0_i32 = arith.constant 0 : i32
    %c0_i32_0 = arith.constant 0 : i32
    %c0_i32_1 = arith.constant 0 : i32
    return %c0_i32, %c0_i32_0 : i32, i32
  }
  func.func @transform_3(%arg0: i32) -> (i32, i32) {
    %c0_i32 = arith.constant 0 : i32
    %c0_i32_0 = arith.constant 0 : i32
    %c0_i32_1 = arith.constant 0 : i32
    return %c0_i32, %c0_i32_0 : i32, i32
  }
  func.func @transform_4(%arg0: i32) -> (i32, i32) {
    %c0_i32 = arith.constant 0 : i32
    %c0_i32_0 = arith.constant 0 : i32
    %c0_i32_1 = arith.constant 0 : i32
    return %c0_i32, %c0_i32_0 : i32, i32
  }
  func.func @transform_5(%arg0: i32) -> (i32, i32) {
    %c0_i32 = arith.constant 0 : i32
    %c0_i32_0 = arith.constant 0 : i32
    return %arg0, %c0_i32 : i32, i32
  }
  func.func @transform_6(%arg0: i32) -> (i32, i32) {
    %c0_i32 = arith.constant 0 : i32
    %c0_i32_0 = arith.constant 0 : i32
    return %arg0, %c0_i32 : i32, i32
  }
}

module attributes {stable_mosaic.version = 14 : i64} {
  func.func @_edge_mlp_body(%arg0: i32, %arg1: memref<1000x128xf32, #tpu.memory_space<vmem>>, %arg2: memref<1000x16xf32, #tpu.memory_space<vmem>>, %arg3: memref<1x1x1000xf32, #tpu.memory_space<vmem>>, %arg4: memref<16x128xf32, #tpu.memory_space<vmem>>, %arg5: memref<128x128xf32, #tpu.memory_space<vmem>>, %arg6: memref<1x128xf32, #tpu.memory_space<vmem>>, %arg7: memref<1x128xf32, #tpu.memory_space<vmem>>, %arg8: memref<1x128xf32, #tpu.memory_space<vmem>>, %arg9: memref<1000x128xf32, #tpu.memory_space<vmem>>) attributes {dimension_semantics = [#tpu.dimension_semantics<arbitrary>], iteration_bounds = array<i64: 320>, scalar_prefetch = 0 : i64, scratch_operands = 0 : i64, tpu.core_type = #tpu.core_type<tc>, window_params = [{transform_indices = @transform_0, window_bounds = array<i64: 1000, 128>}, {transform_indices = @transform_1, window_bounds = array<i64: 1000, 16>}, {transform_indices = @transform_2, window_bounds = array<i64: 1, 1, 1000>}, {pipeline_mode = #tpu.pipeline_mode<synchronous>, transform_indices = @transform_3, window_bounds = array<i64: 16, 128>}, {pipeline_mode = #tpu.pipeline_mode<synchronous>, transform_indices = @transform_4, window_bounds = array<i64: 128, 128>}, {pipeline_mode = #tpu.pipeline_mode<synchronous>, transform_indices = @transform_5, window_bounds = array<i64: 1, 128>}, {pipeline_mode = #tpu.pipeline_mode<synchronous>, transform_indices = @transform_6, window_bounds = array<i64: 1, 128>}, {pipeline_mode = #tpu.pipeline_mode<synchronous>, transform_indices = @transform_7, window_bounds = array<i64: 1, 128>}, {transform_indices = @transform_8, window_bounds = array<i64: 1000, 128>}]} {
    %get3A = arith.constant 0 : index
    %get3A_0 = arith.constant 0 : index
    %get3A_1 = arith.constant 0 : index
    %get3A_2 = vector.load %arg3[%get3A, %get3A_0, %get3A_1] : memref<1x1x1000xf32, #tpu.memory_space<vmem>>, vector<1x1x1000xf32>
    %reshape3A = vector.shape_cast %get3A_2 : vector<1x1x1000xf32> to vector<1x1000xf32>
    %transpose3A = tpu.transpose %reshape3A, [1, 0] : vector<1x1000xf32> -> vector<1000x1xf32>
    %get3A_3 = arith.constant 0 : index
    %get3A_4 = arith.constant 0 : index
    %get3A_5 = vector.load %arg1[%get3A_3, %get3A_4] : memref<1000x128xf32, #tpu.memory_space<vmem>>, vector<1000x128xf32>
    %get3A_6 = arith.constant 0 : index
    %get3A_7 = arith.constant 0 : index
    %get3A_8 = vector.load %arg2[%get3A_6, %get3A_7] : memref<1000x16xf32, #tpu.memory_space<vmem>>, vector<1000x16xf32>
    %get3A_9 = arith.constant 0 : index
    %get3A_10 = arith.constant 0 : index
    %get3A_11 = vector.load %arg4[%get3A_9, %get3A_10] : memref<16x128xf32, #tpu.memory_space<vmem>>, vector<16x128xf32>
    %dot_general3A = arith.constant dense<0.000000e+00> : vector<1000x128xf32>
    %dot_general3A_12 = tpu.matmul %get3A_8, %get3A_11, %dot_general3A {dimension_numbers = #tpu.dot_dimension_numbers<[1], [0], [0], [1], [0, 0, 1, 1], [], []>, transpose_lhs_hint = false} : vector<1000x16xf32>, vector<16x128xf32>, vector<1000x128xf32> -> vector<1000x128xf32>
    %add3A = arith.addf %get3A_5, %dot_general3A_12 : vector<1000x128xf32>
    %get3A_13 = arith.constant 0 : index
    %get3A_14 = arith.constant 0 : index
    %get3A_15 = vector.load %arg6[%get3A_13, %get3A_14] : memref<1x128xf32, #tpu.memory_space<vmem>>, vector<1x128xf32>
    %add3A_16 = vector.broadcast %get3A_15 : vector<1x128xf32> to vector<1000x128xf32>
    %add3A_17 = arith.addf %add3A, %add3A_16 : vector<1000x128xf32>
    %mul3A = arith.constant 2.000000e+00 : f32
    %mul3A_18 = vector.broadcast %mul3A : f32 to vector<1000x1xf32>
    %mul3A_19 = arith.mulf %mul3A_18, %transpose3A : vector<1000x1xf32>
    %get3A_20 = arith.constant 0 : index
    %get3A_21 = arith.constant 0 : index
    %get3A_22 = vector.load %arg8[%get3A_20, %get3A_21] : memref<1x128xf32, #tpu.memory_space<vmem>>, vector<1x128xf32>
    %mul3A_23 = vector.broadcast %mul3A_19 : vector<1000x1xf32> to vector<1000x128xf32>
    %mul3A_24 = vector.broadcast %get3A_22 : vector<1x128xf32> to vector<1000x128xf32>
    %mul3A_25 = arith.mulf %mul3A_23, %mul3A_24 : vector<1000x128xf32>
    %sub3A = arith.subf %add3A_17, %mul3A_25 : vector<1000x128xf32>
    %max3A = arith.constant 0.000000e+00 : f32
    %max3A_26 = vector.broadcast %max3A : f32 to vector<1000x128xf32>
    %max3A_27 = arith.maximumf %sub3A, %max3A_26 : vector<1000x128xf32>
    %get3A_28 = arith.constant 0 : index
    %get3A_29 = arith.constant 0 : index
    %get3A_30 = vector.load %arg5[%get3A_28, %get3A_29] : memref<128x128xf32, #tpu.memory_space<vmem>>, vector<128x128xf32>
    %dot_general3A_31 = arith.constant dense<0.000000e+00> : vector<1000x128xf32>
    %dot_general3A_32 = tpu.matmul %max3A_27, %get3A_30, %dot_general3A_31 {dimension_numbers = #tpu.dot_dimension_numbers<[1], [0], [0], [1], [0, 0, 1, 1], [], []>, transpose_lhs_hint = false} : vector<1000x128xf32>, vector<128x128xf32>, vector<1000x128xf32> -> vector<1000x128xf32>
    %get3A_33 = arith.constant 0 : index
    %get3A_34 = arith.constant 0 : index
    %get3A_35 = vector.load %arg7[%get3A_33, %get3A_34] : memref<1x128xf32, #tpu.memory_space<vmem>>, vector<1x128xf32>
    %add3A_36 = vector.broadcast %get3A_35 : vector<1x128xf32> to vector<1000x128xf32>
    %add3A_37 = arith.addf %dot_general3A_32, %add3A_36 : vector<1000x128xf32>
    %max3A_38 = arith.constant 0.000000e+00 : f32
    %max3A_39 = vector.broadcast %max3A_38 : f32 to vector<1000x128xf32>
    %max3A_40 = arith.maximumf %add3A_37, %max3A_39 : vector<1000x128xf32>
    %swap3A = arith.constant 0 : index
    %swap3A_41 = arith.constant 0 : index
    %swap3A_42 = vector.load %arg9[%swap3A, %swap3A_41] : memref<1000x128xf32, #tpu.memory_space<vmem>>, vector<1000x128xf32>
    tpu.vector_store %arg9[%swap3A, %swap3A_41], %max3A_40 {strides = array<i32>} : memref<1000x128xf32, #tpu.memory_space<vmem>>, vector<1000x128xf32>,
    return
  }
  func.func @transform_0(%arg0: i32) -> (i32, i32) {
    %c0_i32 = arith.constant 0 : i32
    %c0_i32_0 = arith.constant 0 : i32
    return %arg0, %c0_i32 : i32, i32
  }
  func.func @transform_1(%arg0: i32) -> (i32, i32) {
    %c0_i32 = arith.constant 0 : i32
    %c0_i32_0 = arith.constant 0 : i32
    return %arg0, %c0_i32 : i32, i32
  }
  func.func @transform_2(%arg0: i32) -> (i32, i32, i32) {
    %c0_i32 = arith.constant 0 : i32
    %c0_i32_0 = arith.constant 0 : i32
    %c0_i32_1 = arith.constant 0 : i32
    return %arg0, %c0_i32, %c0_i32_0 : i32, i32, i32
  }
  func.func @transform_3(%arg0: i32) -> (i32, i32) {
    %c0_i32 = arith.constant 0 : i32
    %c0_i32_0 = arith.constant 0 : i32
    %c0_i32_1 = arith.constant 0 : i32
    return %c0_i32, %c0_i32_0 : i32, i32
  }
  func.func @transform_4(%arg0: i32) -> (i32, i32) {
    %c0_i32 = arith.constant 0 : i32
    %c0_i32_0 = arith.constant 0 : i32
    %c0_i32_1 = arith.constant 0 : i32
    return %c0_i32, %c0_i32_0 : i32, i32
  }
  func.func @transform_5(%arg0: i32) -> (i32, i32) {
    %c0_i32 = arith.constant 0 : i32
    %c0_i32_0 = arith.constant 0 : i32
    %c0_i32_1 = arith.constant 0 : i32
    return %c0_i32, %c0_i32_0 : i32, i32
  }
  func.func @transform_6(%arg0: i32) -> (i32, i32) {
    %c0_i32 = arith.constant 0 : i32
    %c0_i32_0 = arith.constant 0 : i32
    %c0_i32_1 = arith.constant 0 : i32
    return %c0_i32, %c0_i32_0 : i32, i32
  }
  func.func @transform_7(%arg0: i32) -> (i32, i32) {
    %c0_i32 = arith.constant 0 : i32
    %c0_i32_0 = arith.constant 0 : i32
    %c0_i32_1 = arith.constant 0 : i32
    return %c0_i32, %c0_i32_0 : i32, i32
  }
  func.func @transform_8(%arg0: i32) -> (i32, i32) {
    %c0_i32 = arith.constant 0 : i32
    %c0_i32_0 = arith.constant 0 : i32
    return %arg0, %c0_i32 : i32, i32
  }
}

module attributes {stable_mosaic.version = 14 : i64} {
  func.func @_node_mlp_body(%arg0: i32, %arg1: memref<1000x128xf32, #tpu.memory_space<vmem>>, %arg2: memref<2x1000x128xf32, #tpu.memory_space<vmem>>, %arg3: memref<128x128xf32, #tpu.memory_space<vmem>>, %arg4: memref<128x128xf32, #tpu.memory_space<vmem>>, %arg5: memref<1x128xf32, #tpu.memory_space<vmem>>, %arg6: memref<128x128xf32, #tpu.memory_space<vmem>>, %arg7: memref<1x128xf32, #tpu.memory_space<vmem>>, %arg8: memref<1000x128xf32, #tpu.memory_space<vmem>>) attributes {dimension_semantics = [#tpu.dimension_semantics<arbitrary>], iteration_bounds = array<i64: 10>, scalar_prefetch = 0 : i64, scratch_operands = 0 : i64, tpu.core_type = #tpu.core_type<tc>, window_params = [{transform_indices = @transform_0, window_bounds = array<i64: 1000, 128>}, {transform_indices = @transform_1, window_bounds = array<i64: 2, 1000, 128>}, {pipeline_mode = #tpu.pipeline_mode<synchronous>, transform_indices = @transform_2, window_bounds = array<i64: 128, 128>}, {pipeline_mode = #tpu.pipeline_mode<synchronous>, transform_indices = @transform_3, window_bounds = array<i64: 128, 128>}, {pipeline_mode = #tpu.pipeline_mode<synchronous>, transform_indices = @transform_4, window_bounds = array<i64: 1, 128>}, {pipeline_mode = #tpu.pipeline_mode<synchronous>, transform_indices = @transform_5, window_bounds = array<i64: 128, 128>}, {pipeline_mode = #tpu.pipeline_mode<synchronous>, transform_indices = @transform_6, window_bounds = array<i64: 1, 128>}, {transform_indices = @transform_7, window_bounds = array<i64: 1000, 128>}]} {
    %get3A = arith.constant 0 : index
    %get3A_0 = arith.constant 0 : index
    %get3A_1 = arith.constant 0 : index
    %get3A_2 = vector.load %arg2[%get3A, %get3A_0, %get3A_1] : memref<2x1000x128xf32, #tpu.memory_space<vmem>>, vector<1x1000x128xf32>
    %get3A_3 = vector.shape_cast %get3A_2 : vector<1x1000x128xf32> to vector<1000x128xf32>
    %get3A_4 = arith.constant 1 : index
    %get3A_5 = arith.constant 0 : index
    %get3A_6 = arith.constant 0 : index
    %get3A_7 = vector.load %arg2[%get3A_4, %get3A_5, %get3A_6] : memref<2x1000x128xf32, #tpu.memory_space<vmem>>, vector<1x1000x128xf32>
    %get3A_8 = vector.shape_cast %get3A_7 : vector<1x1000x128xf32> to vector<1000x128xf32>
    %add3A = arith.addf %get3A_3, %get3A_8 : vector<1000x128xf32>
    %get3A_9 = arith.constant 0 : index
    %get3A_10 = arith.constant 0 : index
    %get3A_11 = vector.load %arg1[%get3A_9, %get3A_10] : memref<1000x128xf32, #tpu.memory_space<vmem>>, vector<1000x128xf32>
    %get3A_12 = arith.constant 0 : index
    %get3A_13 = arith.constant 0 : index
    %get3A_14 = vector.load %arg3[%get3A_12, %get3A_13] : memref<128x128xf32, #tpu.memory_space<vmem>>, vector<128x128xf32>
    %dot_general3A = arith.constant dense<0.000000e+00> : vector<1000x128xf32>
    %dot_general3A_15 = tpu.matmul %get3A_11, %get3A_14, %dot_general3A {dimension_numbers = #tpu.dot_dimension_numbers<[1], [0], [0], [1], [0, 0, 1, 1], [], []>, transpose_lhs_hint = false} : vector<1000x128xf32>, vector<128x128xf32>, vector<1000x128xf32> -> vector<1000x128xf32>
    %get3A_16 = arith.constant 0 : index
    %get3A_17 = arith.constant 0 : index
    %get3A_18 = vector.load %arg4[%get3A_16, %get3A_17] : memref<128x128xf32, #tpu.memory_space<vmem>>, vector<128x128xf32>
    %dot_general3A_19 = arith.constant dense<0.000000e+00> : vector<1000x128xf32>
    %dot_general3A_20 = tpu.matmul %add3A, %get3A_18, %dot_general3A_19 {dimension_numbers = #tpu.dot_dimension_numbers<[1], [0], [0], [1], [0, 0, 1, 1], [], []>, transpose_lhs_hint = false} : vector<1000x128xf32>, vector<128x128xf32>, vector<1000x128xf32> -> vector<1000x128xf32>
    %add3A_21 = arith.addf %dot_general3A_15, %dot_general3A_20 : vector<1000x128xf32>
    %get3A_22 = arith.constant 0 : index
    %get3A_23 = arith.constant 0 : index
    %get3A_24 = vector.load %arg5[%get3A_22, %get3A_23] : memref<1x128xf32, #tpu.memory_space<vmem>>, vector<1x128xf32>
    %add3A_25 = vector.broadcast %get3A_24 : vector<1x128xf32> to vector<1000x128xf32>
    %add3A_26 = arith.addf %add3A_21, %add3A_25 : vector<1000x128xf32>
    %max3A = arith.constant 0.000000e+00 : f32
    %max3A_27 = vector.broadcast %max3A : f32 to vector<1000x128xf32>
    %max3A_28 = arith.maximumf %add3A_26, %max3A_27 : vector<1000x128xf32>
    %get3A_29 = arith.constant 0 : index
    %get3A_30 = arith.constant 0 : index
    %get3A_31 = vector.load %arg6[%get3A_29, %get3A_30] : memref<128x128xf32, #tpu.memory_space<vmem>>, vector<128x128xf32>
    %dot_general3A_32 = arith.constant dense<0.000000e+00> : vector<1000x128xf32>
    %dot_general3A_33 = tpu.matmul %max3A_28, %get3A_31, %dot_general3A_32 {dimension_numbers = #tpu.dot_dimension_numbers<[1], [0], [0], [1], [0, 0, 1, 1], [], []>, transpose_lhs_hint = false} : vector<1000x128xf32>, vector<128x128xf32>, vector<1000x128xf32> -> vector<1000x128xf32>
    %get3A_34 = arith.constant 0 : index
    %get3A_35 = arith.constant 0 : index
    %get3A_36 = vector.load %arg7[%get3A_34, %get3A_35] : memref<1x128xf32, #tpu.memory_space<vmem>>, vector<1x128xf32>
    %add3A_37 = vector.broadcast %get3A_36 : vector<1x128xf32> to vector<1000x128xf32>
    %add3A_38 = arith.addf %dot_general3A_33, %add3A_37 : vector<1000x128xf32>
    %swap3A = arith.constant 0 : index
    %swap3A_39 = arith.constant 0 : index
    %swap3A_40 = vector.load %arg8[%swap3A, %swap3A_39] : memref<1000x128xf32, #tpu.memory_space<vmem>>, vector<1000x128xf32>
    tpu.vector_store %arg8[%swap3A, %swap3A_39], %add3A_38 {strides = array<i32>} : memref<1000x128xf32, #tpu.memory_space<vmem>>, vector<1000x128xf32>,
    return
  }
  func.func @transform_0(%arg0: i32) -> (i32, i32) {
    %c0_i32 = arith.constant 0 : i32
    %c0_i32_0 = arith.constant 0 : i32
    return %arg0, %c0_i32 : i32, i32
  }
  func.func @transform_1(%arg0: i32) -> (i32, i32, i32) {
    %c0_i32 = arith.constant 0 : i32
    %c0_i32_0 = arith.constant 0 : i32
    %c0_i32_1 = arith.constant 0 : i32
    return %c0_i32, %arg0, %c0_i32_0 : i32, i32, i32
  }
  func.func @transform_2(%arg0: i32) -> (i32, i32) {
    %c0_i32 = arith.constant 0 : i32
    %c0_i32_0 = arith.constant 0 : i32
    %c0_i32_1 = arith.constant 0 : i32
    return %c0_i32, %c0_i32_0 : i32, i32
  }
  func.func @transform_3(%arg0: i32) -> (i32, i32) {
    %c0_i32 = arith.constant 0 : i32
    %c0_i32_0 = arith.constant 0 : i32
    %c0_i32_1 = arith.constant 0 : i32
    return %c0_i32, %c0_i32_0 : i32, i32
  }
  func.func @transform_4(%arg0: i32) -> (i32, i32) {
    %c0_i32 = arith.constant 0 : i32
    %c0_i32_0 = arith.constant 0 : i32
    %c0_i32_1 = arith.constant 0 : i32
    return %c0_i32, %c0_i32_0 : i32, i32
  }
  func.func @transform_5(%arg0: i32) -> (i32, i32) {
    %c0_i32 = arith.constant 0 : i32
    %c0_i32_0 = arith.constant 0 : i32
    %c0_i32_1 = arith.constant 0 : i32
    return %c0_i32, %c0_i32_0 : i32, i32
  }
  func.func @transform_6(%arg0: i32) -> (i32, i32) {
    %c0_i32 = arith.constant 0 : i32
    %c0_i32_0 = arith.constant 0 : i32
    %c0_i32_1 = arith.constant 0 : i32
    return %c0_i32, %c0_i32_0 : i32, i32
  }
  func.func @transform_7(%arg0: i32) -> (i32, i32) {
    %c0_i32 = arith.constant 0 : i32
    %c0_i32_0 = arith.constant 0 : i32
    return %arg0, %c0_i32 : i32, i32
  }
}

</mosaic_0001>

<sc_bundles>
// kernel: kernel.10.cloned.1.call-start
scs
__scs_entry_jumppad:
0x0: {  	(pc) =	sbr.rel $0x88, $3  }
0x1: {  	(tag) =	ssettag $0x0;
	lr =	simm.s32 $0x1  }
0x2: {  	[smem:$0x3F95] =	sst lr;
	_ =	strace $0xD0000000  }
0x3: {  	_ = 	snop  }
0x4: {  	_ = 	snop  }
0x5: {  	_ = 	snop  }
0x6: {  	_ = 	snop  }
0x7: {  	_ = 	snop  }
__scs_overlays_trampoline_lowered:
0x8: {  	[smem:$0x3FA4] =	sst s0  }
0x9: {  	[smem:$0x3FA5] =	sst s1  }
0xa: {  	[smem:$0x3FA6] =	sst s2  }
0xb: {  	[smem:$0x3FA7] =	sst s3  }
0xc: {  	[smem:$0x3FA8] =	sst s4  }
0xd: {  	[smem:$0x3FA9] =	sst s5  }
0xe: {  	[smem:$0x3FAA] =	sst s6  }
0xf: {  	[smem:$0x3FAB] =	sst s7  }
0x10: {  	[smem:$0x3FAC] =	sst s8  }
0x11: {  	[smem:$0x3FAD] =	sst s9;
	s0 =	simm.s32 @!p0 $0x0  }
0x12: {  	s1 =	sld [smem:$0x3F93];
	s0 =	simm.s32 @p0 $0x1  }
0x13: {  	[smem:$0x3FAE] =	sst s0;
	s0 =	simm.s32 @!p1 $0x0  }
0x14: {  	s2 =	sld [smem:$0x3F92];
	s0 =	simm.s32 @p1 $0x1  }
0x15: {  	[smem:$0x3FAF] =	sst s0;
	s0 =	simm.s32 @!p2 $0x0  }
0x16: {  	s3 =	sld [smem:$0x3FDB];
	s0 =	simm.s32 @p2 $0x1  }
0x17: {  	s4 =	simm.s32 $0x1BF5;
	[smem:$0x3FB1] =	sst s0  }
0x18: {  	s0 =	sld [smem:$0x3F94];
	_ =	swait.ge [sflag:s4], $0x0  }
0x19: {  	s7 =	sld [smem:$0x3F95]  }
0x1a: {  	s8 =	sadd.s32 $0xFFFFE003, lr  }
0x1b: {  	s9 =	sadd.s32 $0xFFFFFEF7, lr;
	s5 =	simm.s32 $0xFFFFFFFF;
	p2 =	slt.u32 s8, $0xFFFFF086  }
0x1c: {  	p1 =	slt.u32 s9, $0xF7A;
	s5 =	simm.s32 @!p2 $0x0  }
0x1d: {  	s5 =	simm.s32 @p1 $0x1;
	p0 =	seq.s32 s7, s2  }
0x1e: {  	s7 =	smul.u32 @!p0 $0xF7A, s2;
	p2 =	seq.s32 @!p0 s5, $0x0  }
0x1f: {  	s9 =	smul.u32 $0xF7A, s1;
	s8 =	simm.s32 @!p0 $0x1BF5;
	p2 =	por !p2, p0  }
0x20: {  	[sflag:s8] =	ssyncset.s32 @!p0 $0xFFFFF086;
	s6 =	sadd.s32 @!p0 s3, s7;
	s7 =	simm.s32 @!p0 $0x108  }
0x21: {  	s3 =	sadd.s32 s3, s9;
	s6 =	sadd.s32 @!p0 $0x88, s6;
	s7 =	simm.s32 @p2 $0x1082  }
0x22: {  	[simem:s7], [sflag:s8] =	dma.local @!p0 [hbm:s6], $0xF7A  }
0x23: {  	s9 =	sor.u32 $0xD0000000, s2;
	s6 =	simm.s32 $0x108;
	_ =	swait.ge @!p0 [sflag:s8], $0x0  }
0x24: {  	s3 =	sadd.s32 $0x88, s3;
	s6 =	simm.s32 @!p1 $0x1082;
	[sflag:s4] =	ssyncset.s32 $0xFFFFF086  }
0x25: {  	[simem:s6], [sflag:s4] =	dma.local [hbm:s3], $0xF7A  }
0x26: {  	[smem:$0x3F95] =	sst s1;
	(tag) =	ssettag s2;
	_ =	strace s9  }
0x27: {  	s1 =	sld [smem:$0x3FA5]  }
0x28: {  	s2 =	sld [smem:$0x3FA6]  }
0x29: {  	s4 =	sld [smem:$0x3FA8]  }
0x2a: {  	p0 =	seq.s32 s5, $0x0;
	s5 =	sld [smem:$0x3FA9]  }
0x2b: {  	s6 =	sld [smem:$0x3FAA]  }
0x2c: {  	s7 =	sld [smem:$0x3FAB]  }
0x2d: {  	s3 =	simm.s32 $0x108;
	s8 =	sld [smem:$0x3FAC]  }
0x2e: {  	s3 =	simm.s32 @!p0 $0x1082;
	s9 =	sld [smem:$0x3FAD]  }
0x2f: {  	lr =	sadd.s32 s0, s3;
	s0 =	sld [smem:$0x3FA4]  }
0x30: {  	s3 =	sld [smem:$0x3FA7]  }
0x31: {  	[smem:$0x3FB0] =	sst s10  }
0x32: {  	s10 =	sld [smem:$0x3FAE];
	_ =	sdelay $0x3  }
0x33: {  	p0 =	seq.s32 s10, $0x1;
	s10 =	sld [smem:$0x3FB0];
	_ =	sdelay $0x3  }
0x34: {  	[smem:$0x3FB0] =	sst s10  }
0x35: {  	s10 =	sld [smem:$0x3FAF];
	_ =	sdelay $0x3  }
0x36: {  	p1 =	seq.s32 s10, $0x1;
	s10 =	sld [smem:$0x3FB0];
	_ =	sdelay $0x3  }
0x37: {  	[smem:$0x3FB0] =	sst s10  }
0x38: {  	s10 =	sld [smem:$0x3FB1]  }
0x39: {  	_ = 	snop;
	(pc) =	sbr.ind lr, $3  }
0x3a: {  	_ = 	snop  }
0x3b: {  	_ = 	snop  }
0x3c: {  	p2 =	seq.s32 s10, $0x1;
	s10 =	sld [smem:$0x3FB0]  }
0x3d: {  	_ =	shalt  }
0x3e: {  	_ =	shalt  }
0x3f: {  	_ =	shalt  }
0x40: {  	_ =	shalt  }
0x41: {  	_ =	shalt  }
0x42: {  	_ =	shalt  }
0x43: {  	_ =	shalt  }
0x44: {  	_ =	shalt  }
0x45: {  	_ =	shalt  }
0x46: {  	_ =	shalt  }
0x47: {  	_ =	shalt  }
0x48: {  	_ =	shalt  }
0x49: {  	_ =	shalt  }
0x4a: {  	_ =	shalt  }
0x4b: {  	_ =	shalt  }
0x4c: {  	_ =	shalt  }
0x4d: {  	_ =	shalt  }
0x4e: {  	_ =	shalt  }
0x4f: {  	_ =	shalt  }
0x50: {  	_ =	shalt  }
0x51: {  	_ =	shalt  }
0x52: {  	_ =	shalt  }
0x53: {  	_ =	shalt  }
0x54: {  	_ =	shalt  }
0x55: {  	_ =	shalt  }
0x56: {  	_ =	shalt  }
0x57: {  	_ =	shalt  }
0x58: {  	_ =	shalt  }
0x59: {  	_ =	shalt  }
0x5a: {  	_ =	shalt  }
0x5b: {  	_ =	shalt  }
0x5c: {  	_ =	shalt  }
0x5d: {  	_ =	shalt  }
0x5e: {  	_ =	shalt  }
0x5f: {  	_ =	shalt  }
0x60: {  	_ =	shalt  }
0x61: {  	_ =	shalt  }
0x62: {  	_ =	shalt  }
0x63: {  	_ =	shalt  }
0x64: {  	_ =	shalt  }
0x65: {  	_ =	shalt  }
0x66: {  	_ =	shalt  }
0x67: {  	_ =	shalt  }
0x68: {  	_ =	shalt  }
0x69: {  	_ =	shalt  }
0x6a: {  	_ =	shalt  }
0x6b: {  	_ =	shalt  }
0x6c: {  	_ =	shalt  }
0x6d: {  	_ =	shalt  }
0x6e: {  	_ =	shalt  }
0x6f: {  	_ =	shalt  }
0x70: {  	_ =	shalt  }
0x71: {  	_ =	shalt  }
0x72: {  	_ =	shalt  }
0x73: {  	_ =	shalt  }
0x74: {  	_ =	shalt  }
0x75: {  	_ =	shalt  }
0x76: {  	_ =	shalt  }
0x77: {  	_ =	shalt  }
0x78: {  	_ =	shalt  }
0x79: {  	_ =	shalt  }
0x7a: {  	_ =	shalt  }
0x7b: {  	_ =	shalt  }
0x7c: {  	_ =	shalt  }
0x7d: {  	_ =	shalt  }
0x7e: {  	_ =	shalt  }
0x7f: {  	_ =	shalt  }
0x80: {  	_ =	shalt  }
0x81: {  	_ =	shalt  }
0x82: {  	_ =	shalt  }
0x83: {  	_ =	shalt  }
0x84: {  	_ =	shalt  }
0x85: {  	_ =	shalt  }
0x86: {  	_ =	shalt  }
0x87: {  	_ =	shalt  }
.Lfunc_end0:
.L_simem_size_0:
called_computation.1_lowered:
.L_overlay_start_0:
0x88: {  	s2 =	sld [smem:$0x3FD9]  }
0x89: {  	s3 =	sld [smem:$0x3FFE];
	_ =	sdelay $0x1  }
0x8a: {  	s1 =	srdreg.scid  }
0x8b: {  	s0 =	sand.u32 $0x1, s1  }
0x8c: {  	s16 =	sshll.u32 s0, $0xA;
	s2 =	sadd.s32 s3, s2  }
0x8d: {  	s2 =	sadd.s32 s2, s16  }
0x8e: {  	[smem:$0x3FBC] =	sst s2  }
0x8f: {  	_ = 	snop  }
0x90: {  	(tm) =	ssettm $0x1  }
0x91: {  	s17 =	sld [smem:$0x3FFB];
	_ =	sdelay $0x3  }
0x92: {  	_ =	strace s17  }
0x93: {  	s2 =	sld [smem:$0x3FFC];
	_ =	sdelay $0x3  }
0x94: {  	_ =	strace s2  }
0x95: {  	s2 =	sld [smem:$0x3FFD];
	_ =	sdelay $0x3  }
0x96: {  	_ =	strace s2  }
0x97: {  	_ =	strace $0x8FFFFFFF  }
0x98: {  	s18 =	sld [smem:$0x3FDB];
	_ =	sdelay $0x1  }
0x99: {  	s19 =	simm.s32 $_scs_section_size  }
0x9a: {  	s4 =	simm.s32 $_size__tile_overlayer_lowered;
	s5 =	simm.s32 $_tile_overlayer_lowered  }
0x9b: {  	s22 =	simm.s32 $0x1BFF;
	s21 =	sshll.u32 s5, $0x1;
	s2 =	sadd.s32 s19, s18  }
0x9c: {  	s6 =	simm.s32 $0x0;
	s20 =	sshll.u32 s4, $0x1;
	s4 =	sadd.s32 s21, s2  }
0x9d: {  	[timem:s6], [sflag:s22] =	dma.local [hbm:s4], s20  }
0x9e: {  	_ =	swait.ge [sflag:s22], s20  }
0x9f: {  	s3 =	ssub.s32 $0x0, s20;
	[sflag:s22] =	ssyncset.done $0x0  }
0xa0: {  	[sflag:s22] =	ssyncadd.s32 s3;
	_ =	sdelay $0x1  }
0xa1: {  	s23 =	simm.s32 $0x1B8B  }
0xa2: {  	_ =	swait.ge [sflag:s23], $0x1  }
0xa3: {  	[sflag:s23] =	ssyncset.done $0x0  }
0xa4: {  	s25 =	simm.s32 $0x1B8E;
	s24 =	sld [smem:$0x3FFE];
	[sflag:s23] =	ssyncadd.s32 $0xFFFFFFFF  }
0xa5: {  	s26 =	simm.s32 $execute0_lowered;
	[smem:$0x3FD2] =	sst s25  }
0xa6: {  	s4 =	sshll.u32 s26, $0x1;
	_ =	strace $0x80000049;
	[dreg:$0x1] =	wrdreg $0xFFFFFFFF  }
0xa7: {  	s28 =	simm.s32 $_size_execute0_lowered;
	s2 =	sadd.s32 s2, s4;
	[dreg:$0x0] =	wrdreg $0x0  }
0xa8: {  	s4 =	sshll.u32 s28, $0x1;
	[dreg:$0x2] =	wrdreg s2  }
0xa9: {  	[dreg:$0x3] =	wrdreg s4  }
0xaa: {  	[dreg:$0x4] =	wrdreg $0xC0  }
0xab: {  	_ =	task [dreg:s6], $0x5FFFF  }
0xac: {  	[dreg:$0x1] =	wrdreg $0xFFFFFFFF  }
0xad: {  	[dreg:$0x0] =	wrdreg $0x60  }
0xae: {  	[dreg:$0x2] =	wrdreg s24  }
0xaf: {  	[dreg:$0x3] =	wrdreg $0x51000  }
0xb0: {  	[dreg:$0x4] =	wrdreg $0x9  }
0xb1: {  	_ =	task.clear_ibuf [dreg:s6], $0x5FFFF;
	_ =	strace $0x90000049  }
0xb2: {  	s29 =	simm.s32 $0x9;
	_ =	strace $0x8000004B  }
0xb3: {  	_ =	swait.ge [sflag:s29], $0x1  }
0xb4: {  	[sflag:s29] =	ssyncadd.s32 $0xFFFFFFFF  }
0xb5: {  	_ =	strace $0x9000004B  }
0xb6: {  	_ =	sfence  }
0xb7: {  	s30 =	sld [smem:$0x0];
	_ =	sdelay $0x2  }
0xb8: {  	s31 =	sshll.u32 s1, $0xD;
	s1 =	sshrl.u32 s1, $0x2  }
0xb9: {  	s3 =	sand.u32 $0x4000, s31;
	s1 =	sadd.s32 s1, s30  }
0xba: {  	s0 =	sor.u32 s3, s0;
	s1 =	sshll.u32 s1, $0x11  }
0xbb: {  	s0 =	sor.u32 s1, s0  }
0xbc: {  	s0 =	sadd.s32 $0x8F2B, s0  }
0xbd: {  	[sflag:s0] =	ssyncadd.remote.s32 $0x1  }
0xbe: {  	_ =	sfence.sel $0xFFFF  }
0xbf: {  	[dreg:$0x0] =	wrdreg $0xFFFFFFFF;
	(pc) =	sbr.abs _section_cstart, $3  }
0xc0: {  	[dreg:$0x1] =	wrdreg $0xFFFFFFFF  }
0xc1: {  	_ =	task.clear_ibuf [dreg:s6], $0x2FFFF;
	_ =	strace $0x9FFFFFFF  }
0xc2: {  	(tm) =	ssettm $0x7FFFFFFF  }
0xc3: {  	_ =	shalt  }
tec
execute0_lowered:
.L_overlay_start_1:
0x0: {  	(tag) =	ssettag $0x1  }
0x1: {  	s5 =	rddreg [dreg:$0x0]  }
0x2: {  	s2 =	rddreg [dreg:$0x1]  }
0x3: {  	s0 =	rddreg [dreg:$0x2];
	s1 =	stileid.u32  }
0x4: {  	s4 =	srdreg.scid;
	s6 =	smul.u32 $0x14000, s1  }
0x5: {  	s3 =	simm.s32 $0x0;
	s18 =	simm.s32 $0x2;
	s12 =	smul.u32 $0x50000, s1  }
0x6: {  	s8 =	sand.u32 $0x1, s4;
	[smem:$0x7FF] =	sst s3;
	s16 =	smul.u32 $0x2710, s1  }
0x7: {  	s10 =	sadd.s32 $0xA0CE00, s5;
	s4 =	sadd.s32 $0xE000, s5;
	s17 =	smul.u32 $0x27100, s1  }
0x8: {  	s25 =	sshll.u32 s1, $0x6;
	s7 =	smul.u32 $0x140000, s8;
	_ =	strace $0x8000004A  }
0x9: {  	s20 =	sshll.u32 s8, $0x4;
	s11 =	ssub.s32 $0x2, s8;
	s24 =	smul.u32 $0x27100, s8  }
0xa: {  	s26 =	smul.u32 $0x271000, s8;
	s9 =	sshrl.u32 s6, $0x3;
	s21 =	sshrl.u32 s11, $0x1  }
0xb: {  	s23 =	sshrl.u32 s12, $0x2;
	s6 =	sadd.s32 s6, s7;
	s19 =	sadd.s32 s9, s5  }
0xc: {  	s9 =	sor.u32 s1, s20;
	s11 =	ssub.s32 s11, s21;
	s14 =	sadd.s32 s23, s2  }
0xd: {  	s12 =	sadd.s32 s16, s24;
	s28 =	sadd.s32 s26, s10;
	s16 =	simm.s32 $0x100  }
0xe: {  	s20 =	simm.s32 $0x2900;
	s21 =	simm.s32 $0x50;
	s22 =	smul.u32 $0x2710, s9  }
0xf: {  	s6 =	sshrl.u32 s6, $0x3;
	s9 =	smul.u32 $0x27100, s9;
	s29 =	sadd.s32 $0x50, s12  }
0x10: {  	s30 =	sadd.s32 s17, s28;
	s12 =	sadd.s32 $0xA0, s12;
	s14 =	sshrl.u32 s14, $0x3  }
0x11: {  	s17 =	simm.s32 $0x1;
	s13 =	sadd.s32 s6, s5;
	s5 =	sadd.s32 $0x17E00, s19  }
0x12: {  	s6 =	sor.u32 $0x1C03, s25;
	s31 =	sshrl.u32 s29, $0x3;
	s19 =	simm.s32 $0x80  }
0x13: {  	s15 =	sshrl.u32 s22, $0x3;
	s8 =	sadd.s32 s10, s9;
	s9 =	sadd.s32 $0x3FE00, s13  }
0x14: {  	s10 =	smax.u32 s11, $0x1;
	s11 =	sadd.s32 $0xA00, s30;
	s13 =	sadd.s32 s31, s4  }
0x15: {  	s22 =	simm.s32 $0x0;
	s7 =	sadd.s32 s4, s15;
	s15 =	simm.s32 $0x3  }
.LBB2_1:
0x16: {  	[spmem:s14], [sflag:s6] =	dma.local [hbm:s5], $0x2800  }
0x17: {  	_ =	swait.ge [sflag:s15], $0x2800  }
0x18: {  	[sflag:s15] =	ssyncset.done $0x0  }
0x19: {  	[sflag:s15] =	ssyncadd.s32 $0xFFFFD800  }
0x1a: {  	[bflag:$0x0] =	sbarrier.arrive $0xFFFF  }
0x1b: {  	[tilespmem:s3], [sflag:$0x1] =	stream.linear.gather [hbm4b:s7+s3], $0x50, $0x38;
	[tilespmem:$0x19100] =	vst v63  }
0x1c: {  	_ = 	snop  }
0x1d: {  	[tilespmem:s16], [sflag:$0x2] =	stream.linear.gather [hbm4b:s8+s3], $0x2800, $0x38;
	[tilespmem:$0x19100] =	vst v63  }
0x1e: {  	_ =	swait.ge [sflag:s17], $0x50  }
0x1f: {  	[sflag:s17] =	ssyncset.done $0x0  }
0x20: {  	[sflag:s17] =	ssyncadd.s32 $0xFFFFFFB0  }
0x21: {  	_ =	swait.ge [sflag:s18], $0x2800  }
0x22: {  	[sflag:s18] =	ssyncset.done $0x0  }
0x23: {  	s23 =	sadd.s32 $0x0, s13;
	[sflag:s18] =	ssyncadd.s32 $0xFFFFD800  }
0x24: {  	[tilespmem:s19], [sflag:$0x1] =	stream.linear.gather [hbm4b:s23+s3], $0x50, $0x38;
	[tilespmem:$0x19100] =	vst v63  }
0x25: {  	s30 =	sadd.s32 $0xFFFFFB00, s11  }
0x26: {  	[tilespmem:s20], [sflag:$0x2] =	stream.linear.gather [hbm4b:s30+s3], $0x2800, $0x38;
	[tilespmem:$0x19100] =	vst v63  }
0x27: {  	_ = 	snop  }
0x28: {  	[spmem:s2] =	stream.indirect.scatter.add.f32 [tilespmem:s16], [sflag:$0x3], $0x80, s3, s21, $0xb8;
	[tilespmem:$0x19100] =	vst v63  }
0x29: {  	_ =	swait.ge [sflag:s15], $0x2800  }
0x2a: {  	[sflag:s15] =	ssyncset.done $0x0  }
0x2b: {  	[sflag:s15] =	ssyncadd.s32 $0xFFFFD800  }
0x2c: {  	_ =	swait.ge [sflag:s17], $0x50  }
0x2d: {  	[sflag:s17] =	ssyncset.done $0x0  }
0x2e: {  	[sflag:s17] =	ssyncadd.s32 $0xFFFFFFB0  }
0x2f: {  	_ =	swait.ge [sflag:s18], $0x2800  }
0x30: {  	s31 =	sshrl.u32 s12, $0x3;
	[sflag:s18] =	ssyncset.done $0x0  }
0x31: {  	s23 =	sadd.s32 s4, s31;
	[sflag:s18] =	ssyncadd.s32 $0xFFFFD800  }
0x32: {  	[tilespmem:s3], [sflag:$0x1] =	stream.linear.gather [hbm4b:s23+s3], $0x50, $0x38;
	[tilespmem:$0x19100] =	vst v63  }
0x33: {  	_ = 	snop  }
0x34: {  	[tilespmem:s16], [sflag:$0x2] =	stream.linear.gather [hbm4b:s11+s3], $0x2800, $0x38;
	[tilespmem:$0x19100] =	vst v63  }
0x35: {  	_ = 	snop  }
0x36: {  	[spmem:s2] =	stream.indirect.scatter.add.f32 [tilespmem:s20], [sflag:$0x3], $0x80, s19, s21, $0xb8;
	[tilespmem:$0x19100] =	vst v63  }
0x37: {  	s24 =	smov.u32 s11;
	_ =	swait.ge [sflag:s15], $0x2800  }
0x38: {  	s25 =	smov.u32 s12;
	s23 =	simm.s32 $0x14;
	[sflag:s15] =	ssyncset.done $0x0  }
.LBB2_2:
0x39: {  	[sflag:s15] =	ssyncadd.s32 $0xFFFFD800;
	s24 =	sadd.s32 $0xA00, s24;
	s25 =	sadd.s32 $0xA0, s25  }
0x3a: {  	p0 =	sne.s32 s23, $0x4C4;
	s26 =	smov.u32 s23;
	s23 =	sadd.s32 $0x14, s23  }
0x3b: {  	_ =	swait.ge [sflag:s17], $0x50  }
0x3c: {  	[sflag:s17] =	ssyncset.done $0x0  }
0x3d: {  	[sflag:s17] =	ssyncadd.s32 $0xFFFFFFB0  }
0x3e: {  	_ =	swait.ge [sflag:s18], $0x2800  }
0x3f: {  	[sflag:s18] =	ssyncset.done $0x0  }
0x40: {  	s26 =	sadd.s32 s26, s13;
	[sflag:s18] =	ssyncadd.s32 $0xFFFFD800  }
0x41: {  	[tilespmem:s19], [sflag:$0x1] =	stream.linear.gather [hbm4b:s26+s3], $0x50, $0x38;
	[tilespmem:$0x19100] =	vst v63  }
0x42: {  	s26 =	sadd.s32 $0xFFFFFB00, s24  }
0x43: {  	[tilespmem:s20], [sflag:$0x2] =	stream.linear.gather [hbm4b:s26+s3], $0x2800, $0x38;
	[tilespmem:$0x19100] =	vst v63  }
0x44: {  	_ = 	snop  }
0x45: {  	[spmem:s2] =	stream.indirect.scatter.add.f32 [tilespmem:s16], [sflag:$0x3], $0x80, s3, s21, $0xb8;
	[tilespmem:$0x19100] =	vst v63  }
0x46: {  	_ =	swait.ge [sflag:s15], $0x2800  }
0x47: {  	[sflag:s15] =	ssyncset.done $0x0  }
0x48: {  	[sflag:s15] =	ssyncadd.s32 $0xFFFFD800  }
0x49: {  	_ =	swait.ge [sflag:s17], $0x50  }
0x4a: {  	[sflag:s17] =	ssyncset.done $0x0  }
0x4b: {  	[sflag:s17] =	ssyncadd.s32 $0xFFFFFFB0  }
0x4c: {  	_ =	swait.ge [sflag:s18], $0x2800  }
0x4d: {  	s26 =	sshrl.u32 s25, $0x3;
	[sflag:s18] =	ssyncset.done $0x0  }
0x4e: {  	s26 =	sadd.s32 s4, s26;
	[sflag:s18] =	ssyncadd.s32 $0xFFFFD800  }
0x4f: {  	[tilespmem:s3], [sflag:$0x1] =	stream.linear.gather [hbm4b:s26+s3], $0x50, $0x38;
	[tilespmem:$0x19100] =	vst v63  }
0x50: {  	_ = 	snop  }
0x51: {  	[tilespmem:s16], [sflag:$0x2] =	stream.linear.gather [hbm4b:s24+s3], $0x2800, $0x38;
	[tilespmem:$0x19100] =	vst v63  }
.Ltmp0:
0x52: {  	_ = 	snop;
	(pc) =	sbr.rel @p0 .LBB2_2-.Ltmp0, $4  }
0x53: {  	_ = 	snop  }
0x54: {  	[spmem:s2] =	stream.indirect.scatter.add.f32 [tilespmem:s20], [sflag:$0x3], $0x80, s19, s21, $0xb8;
	[tilespmem:$0x19100] =	vst v63  }
0x55: {  	_ =	swait.ge [sflag:s15], $0x2800  }
0x56: {  	[sflag:s15] =	ssyncset.done $0x0  }
0x57: {  	[sflag:s15] =	ssyncadd.s32 $0xFFFFD800  }
0x58: {  	_ =	swait.ge [sflag:s17], $0x50  }
0x59: {  	[sflag:s17] =	ssyncset.done $0x0  }
0x5a: {  	[sflag:s17] =	ssyncadd.s32 $0xFFFFFFB0  }
0x5b: {  	_ =	swait.ge [sflag:s18], $0x2800  }
0x5c: {  	[sflag:s18] =	ssyncset.done $0x0  }
0x5d: {  	[sflag:s18] =	ssyncadd.s32 $0xFFFFD800  }
0x5e: {  	[spmem:s2] =	stream.indirect.scatter.add.f32 [tilespmem:s16], [sflag:$0x3], $0x80, s3, s21, $0xb8;
	[tilespmem:$0x19100] =	vst v63  }
0x5f: {  	_ =	swait.ge [sflag:s15], $0x2800  }
0x60: {  	s22 =	sadd.s32 $0x1, s22;
	[sflag:s15] =	ssyncset.done $0x0  }
0x61: {  	p0 =	sne.s32 s22, s10;
	[sflag:s15] =	ssyncadd.s32 $0xFFFFD800  }
.Ltmp1:
0x62: {  	[bflag:$0x0] =	sbarrier.arrive $0xFFFF;
	(pc) =	sbr.rel @p0 .LBB2_1-.Ltmp1, $4  }
0x63: {  	[hbm:s9], [sflag:s6] =	dma.local [spmem:s14], $0x2800  }
0x64: {  	_ =	swait.ge [sflag:s15], $0x2800  }
0x65: {  	[sflag:s15] =	ssyncset.done $0x0  }
0x66: {  	[sflag:s15] =	ssyncadd.s32 $0xFFFFD800  }
0x67: {  	_ =	sfence.sel $0x180000  }
0x68: {  	[bflag:$0x0] =	sbarrier.arrive $0xFFFF  }
0x69: {  	p0 =	sne.s32 s1, $0x0;
	_ =	strace $0x9000004A  }
0x6a: {  	s0 =	sadd.s32 @!p0 $0x100000, s0;
	[bflag:$0x2] =	sbarrier.arrive $0xFFFF  }
0x6b: {  	[sflag:s0] =	ssyncadd.tile.s32 @!p0 $0x1;
	_ =	shalt  }
.Lfunc_end2:
_tile_overlayer_lowered:
.L_overlay_start_2:
0x6c: {  	(tag) =	ssettag $0x2  }
0x6d: {  	s0 =	rddreg [dreg:$0x0];
	s2 =	stileid.u32  }
0x6e: {  	s1 =	rddreg [dreg:$0x1];
	p0 =	sne.s32 s2, $0x0  }
0x6f: {  	s3 =	rddreg [dreg:$0x2];
	[bflag:$0x3] =	sbarrier.arrive $0xFFFF;
	s2 =	simm.s32 @!p0 $0x1C03  }
0x70: {  	[timem:s3], [sflag:s2] =	dma.local @!p0 [hbm:s0], s1  }
0x71: {  	s0 =	simm.s32 @!p0 $0x3  }
0x72: {  	_ =	swait.ge @!p0 [sflag:s0], s1  }
0x73: {  	s1 =	ssub.s32 @!p0 $0x0, s1;
	[sflag:s0] =	ssyncset.done @!p0 $0x0  }
0x74: {  	[sflag:s0] =	ssyncadd.s32 @!p0 s1  }
0x75: {  	[bflag:$0x3] =	sbarrier.arrive $0xFFFF  }
0x76: {  	_ =	shalt  }

// kernel: kernel.7.cloned.1.call-start
scs
__scs_entry_jumppad:
0x0: {  	(pc) =	sbr.rel $0x88, $3  }
0x1: {  	(tag) =	ssettag $0x0;
	lr =	simm.s32 $0x1  }
0x2: {  	[smem:$0x3F95] =	sst lr;
	_ =	strace $0xD0000000  }
0x3: {  	_ = 	snop  }
0x4: {  	_ = 	snop  }
0x5: {  	_ = 	snop  }
0x6: {  	_ = 	snop  }
0x7: {  	_ = 	snop  }
__scs_overlays_trampoline_lowered:
0x8: {  	[smem:$0x3FA4] =	sst s0  }
0x9: {  	[smem:$0x3FA5] =	sst s1  }
0xa: {  	[smem:$0x3FA6] =	sst s2  }
0xb: {  	[smem:$0x3FA7] =	sst s3  }
0xc: {  	[smem:$0x3FA8] =	sst s4  }
0xd: {  	[smem:$0x3FA9] =	sst s5  }
0xe: {  	[smem:$0x3FAA] =	sst s6  }
0xf: {  	[smem:$0x3FAB] =	sst s7  }
0x10: {  	[smem:$0x3FAC] =	sst s8  }
0x11: {  	[smem:$0x3FAD] =	sst s9;
	s0 =	simm.s32 @!p0 $0x0  }
0x12: {  	s1 =	sld [smem:$0x3F93];
	s0 =	simm.s32 @p0 $0x1  }
0x13: {  	[smem:$0x3FAE] =	sst s0;
	s0 =	simm.s32 @!p1 $0x0  }
0x14: {  	s2 =	sld [smem:$0x3F92];
	s0 =	simm.s32 @p1 $0x1  }
0x15: {  	[smem:$0x3FAF] =	sst s0;
	s0 =	simm.s32 @!p2 $0x0  }
0x16: {  	s3 =	sld [smem:$0x3FDB];
	s0 =	simm.s32 @p2 $0x1  }
0x17: {  	s4 =	simm.s32 $0x1BF5;
	[smem:$0x3FB1] =	sst s0  }
0x18: {  	s0 =	sld [smem:$0x3F94];
	_ =	swait.ge [sflag:s4], $0x0  }
0x19: {  	s7 =	sld [smem:$0x3F95]  }
0x1a: {  	s8 =	sadd.s32 $0xFFFFE003, lr  }
0x1b: {  	s9 =	sadd.s32 $0xFFFFFEF7, lr;
	s5 =	simm.s32 $0xFFFFFFFF;
	p2 =	slt.u32 s8, $0xFFFFF086  }
0x1c: {  	p1 =	slt.u32 s9, $0xF7A;
	s5 =	simm.s32 @!p2 $0x0  }
0x1d: {  	s5 =	simm.s32 @p1 $0x1;
	p0 =	seq.s32 s7, s2  }
0x1e: {  	s7 =	smul.u32 @!p0 $0xF7A, s2;
	p2 =	seq.s32 @!p0 s5, $0x0  }
0x1f: {  	s9 =	smul.u32 $0xF7A, s1;
	s8 =	simm.s32 @!p0 $0x1BF5;
	p2 =	por !p2, p0  }
0x20: {  	[sflag:s8] =	ssyncset.s32 @!p0 $0xFFFFF086;
	s6 =	sadd.s32 @!p0 s3, s7;
	s7 =	simm.s32 @!p0 $0x108  }
0x21: {  	s3 =	sadd.s32 s3, s9;
	s6 =	sadd.s32 @!p0 $0x88, s6;
	s7 =	simm.s32 @p2 $0x1082  }
0x22: {  	[simem:s7], [sflag:s8] =	dma.local @!p0 [hbm:s6], $0xF7A  }
0x23: {  	s9 =	sor.u32 $0xD0000000, s2;
	s6 =	simm.s32 $0x108;
	_ =	swait.ge @!p0 [sflag:s8], $0x0  }
0x24: {  	s3 =	sadd.s32 $0x88, s3;
	s6 =	simm.s32 @!p1 $0x1082;
	[sflag:s4] =	ssyncset.s32 $0xFFFFF086  }
0x25: {  	[simem:s6], [sflag:s4] =	dma.local [hbm:s3], $0xF7A  }
0x26: {  	[smem:$0x3F95] =	sst s1;
	(tag) =	ssettag s2;
	_ =	strace s9  }
0x27: {  	s1 =	sld [smem:$0x3FA5]  }
0x28: {  	s2 =	sld [smem:$0x3FA6]  }
0x29: {  	s4 =	sld [smem:$0x3FA8]  }
0x2a: {  	p0 =	seq.s32 s5, $0x0;
	s5 =	sld [smem:$0x3FA9]  }
0x2b: {  	s6 =	sld [smem:$0x3FAA]  }
0x2c: {  	s7 =	sld [smem:$0x3FAB]  }
0x2d: {  	s3 =	simm.s32 $0x108;
	s8 =	sld [smem:$0x3FAC]  }
0x2e: {  	s3 =	simm.s32 @!p0 $0x1082;
	s9 =	sld [smem:$0x3FAD]  }
0x2f: {  	lr =	sadd.s32 s0, s3;
	s0 =	sld [smem:$0x3FA4]  }
0x30: {  	s3 =	sld [smem:$0x3FA7]  }
0x31: {  	[smem:$0x3FB0] =	sst s10  }
0x32: {  	s10 =	sld [smem:$0x3FAE];
	_ =	sdelay $0x3  }
0x33: {  	p0 =	seq.s32 s10, $0x1;
	s10 =	sld [smem:$0x3FB0];
	_ =	sdelay $0x3  }
0x34: {  	[smem:$0x3FB0] =	sst s10  }
0x35: {  	s10 =	sld [smem:$0x3FAF];
	_ =	sdelay $0x3  }
0x36: {  	p1 =	seq.s32 s10, $0x1;
	s10 =	sld [smem:$0x3FB0];
	_ =	sdelay $0x3  }
0x37: {  	[smem:$0x3FB0] =	sst s10  }
0x38: {  	s10 =	sld [smem:$0x3FB1]  }
0x39: {  	_ = 	snop;
	(pc) =	sbr.ind lr, $3  }
0x3a: {  	_ = 	snop  }
0x3b: {  	_ = 	snop  }
0x3c: {  	p2 =	seq.s32 s10, $0x1;
	s10 =	sld [smem:$0x3FB0]  }
0x3d: {  	_ =	shalt  }
0x3e: {  	_ =	shalt  }
0x3f: {  	_ =	shalt  }
0x40: {  	_ =	shalt  }
0x41: {  	_ =	shalt  }
0x42: {  	_ =	shalt  }
0x43: {  	_ =	shalt  }
0x44: {  	_ =	shalt  }
0x45: {  	_ =	shalt  }
0x46: {  	_ =	shalt  }
0x47: {  	_ =	shalt  }
0x48: {  	_ =	shalt  }
0x49: {  	_ =	shalt  }
0x4a: {  	_ =	shalt  }
0x4b: {  	_ =	shalt  }
0x4c: {  	_ =	shalt  }
0x4d: {  	_ =	shalt  }
0x4e: {  	_ =	shalt  }
0x4f: {  	_ =	shalt  }
0x50: {  	_ =	shalt  }
0x51: {  	_ =	shalt  }
0x52: {  	_ =	shalt  }
0x53: {  	_ =	shalt  }
0x54: {  	_ =	shalt  }
0x55: {  	_ =	shalt  }
0x56: {  	_ =	shalt  }
0x57: {  	_ =	shalt  }
0x58: {  	_ =	shalt  }
0x59: {  	_ =	shalt  }
0x5a: {  	_ =	shalt  }
0x5b: {  	_ =	shalt  }
0x5c: {  	_ =	shalt  }
0x5d: {  	_ =	shalt  }
0x5e: {  	_ =	shalt  }
0x5f: {  	_ =	shalt  }
0x60: {  	_ =	shalt  }
0x61: {  	_ =	shalt  }
0x62: {  	_ =	shalt  }
0x63: {  	_ =	shalt  }
0x64: {  	_ =	shalt  }
0x65: {  	_ =	shalt  }
0x66: {  	_ =	shalt  }
0x67: {  	_ =	shalt  }
0x68: {  	_ =	shalt  }
0x69: {  	_ =	shalt  }
0x6a: {  	_ =	shalt  }
0x6b: {  	_ =	shalt  }
0x6c: {  	_ =	shalt  }
0x6d: {  	_ =	shalt  }
0x6e: {  	_ =	shalt  }
0x6f: {  	_ =	shalt  }
0x70: {  	_ =	shalt  }
0x71: {  	_ =	shalt  }
0x72: {  	_ =	shalt  }
0x73: {  	_ =	shalt  }
0x74: {  	_ =	shalt  }
0x75: {  	_ =	shalt  }
0x76: {  	_ =	shalt  }
0x77: {  	_ =	shalt  }
0x78: {  	_ =	shalt  }
0x79: {  	_ =	shalt  }
0x7a: {  	_ =	shalt  }
0x7b: {  	_ =	shalt  }
0x7c: {  	_ =	shalt  }
0x7d: {  	_ =	shalt  }
0x7e: {  	_ =	shalt  }
0x7f: {  	_ =	shalt  }
0x80: {  	_ =	shalt  }
0x81: {  	_ =	shalt  }
0x82: {  	_ =	shalt  }
0x83: {  	_ =	shalt  }
0x84: {  	_ =	shalt  }
0x85: {  	_ =	shalt  }
0x86: {  	_ =	shalt  }
0x87: {  	_ =	shalt  }
.Lfunc_end0:
.L_simem_size_0:
called_computation_lowered:
.L_overlay_start_0:
0x88: {  	s2 =	sld [smem:$0x3FD9]  }
0x89: {  	s3 =	sld [smem:$0x3FFE];
	_ =	sdelay $0x1  }
0x8a: {  	s1 =	srdreg.scid  }
0x8b: {  	s0 =	sand.u32 $0x1, s1  }
0x8c: {  	s17 =	sshll.u32 s0, $0xA;
	s2 =	sadd.s32 s3, s2  }
0x8d: {  	s2 =	sadd.s32 s2, s17  }
0x8e: {  	[smem:$0x3FBC] =	sst s2  }
0x8f: {  	_ = 	snop  }
0x90: {  	s2 =	sld [smem:$0x3FD0];
	(tm) =	ssettm $0x1  }
0x91: {  	s18 =	sld [smem:$0x3FFB];
	_ =	sdelay $0x3  }
0x92: {  	_ =	strace s18  }
0x93: {  	s3 =	sld [smem:$0x3FFC];
	_ =	sdelay $0x3  }
0x94: {  	_ =	strace s3  }
0x95: {  	s3 =	sld [smem:$0x3FFD];
	_ =	sdelay $0x3  }
0x96: {  	_ =	strace s3  }
0x97: {  	_ =	strace $0x8FFFFFFF  }
0x98: {  	s19 =	sld [smem:$0x3FDB];
	_ =	sdelay $0x1  }
0x99: {  	s4 =	simm.s32 $_scs_section_size  }
0x9a: {  	s5 =	simm.s32 $_size__tile_overlayer_lowered;
	s6 =	simm.s32 $_tile_overlayer_lowered  }
0x9b: {  	s22 =	simm.s32 $0x1BFF;
	s21 =	sshll.u32 s6, $0x1;
	s3 =	sadd.s32 s4, s19  }
0x9c: {  	s7 =	simm.s32 $0x0;
	s20 =	sshll.u32 s5, $0x1;
	s5 =	sadd.s32 s21, s3  }
0x9d: {  	[timem:s7], [sflag:s22] =	dma.local [hbm:s5], s20  }
0x9e: {  	_ =	swait.ge [sflag:s22], s20  }
0x9f: {  	s4 =	ssub.s32 $0x0, s20;
	[sflag:s22] =	ssyncset.done $0x0  }
0xa0: {  	[sflag:s22] =	ssyncadd.s32 s4;
	_ =	sdelay $0x1  }
0xa1: {  	s23 =	simm.s32 $0x1B8B  }
0xa2: {  	_ =	swait.ge [sflag:s23], $0x1  }
0xa3: {  	[sflag:s23] =	ssyncset.done $0x0  }
0xa4: {  	s25 =	simm.s32 $0x1B8E;
	s24 =	sld [smem:$0x3FFE];
	[sflag:s23] =	ssyncadd.s32 $0xFFFFFFFF  }
0xa5: {  	s26 =	simm.s32 $execute0_lowered;
	[smem:$0x3FD2] =	sst s25  }
0xa6: {  	s5 =	sshll.u32 s26, $0x1;
	_ =	strace $0x80000046;
	[dreg:$0x1] =	wrdreg $0xFFFFFFFF  }
0xa7: {  	s28 =	simm.s32 $_size_execute0_lowered;
	s3 =	sadd.s32 s3, s5;
	[dreg:$0x0] =	wrdreg $0x0  }
0xa8: {  	s5 =	sshll.u32 s28, $0x1;
	[dreg:$0x2] =	wrdreg s3  }
0xa9: {  	[dreg:$0x3] =	wrdreg s5  }
0xaa: {  	[dreg:$0x4] =	wrdreg $0xC0  }
0xab: {  	_ =	task [dreg:s7], $0x5FFFF  }
0xac: {  	[dreg:$0x1] =	wrdreg $0xFFFFFFFF  }
0xad: {  	[dreg:$0x0] =	wrdreg $0x60  }
0xae: {  	[dreg:$0x2] =	wrdreg s2  }
0xaf: {  	[dreg:$0x3] =	wrdreg s24  }
0xb0: {  	[dreg:$0x4] =	wrdreg $0x9  }
0xb1: {  	_ =	task.clear_ibuf [dreg:s7], $0x5FFFF;
	_ =	strace $0x90000046  }
0xb2: {  	s29 =	simm.s32 $0x9;
	_ =	strace $0x80000048  }
0xb3: {  	_ =	swait.ge [sflag:s29], $0x1  }
0xb4: {  	[sflag:s29] =	ssyncadd.s32 $0xFFFFFFFF  }
0xb5: {  	_ =	strace $0x90000048  }
0xb6: {  	_ =	sfence  }
0xb7: {  	s30 =	sld [smem:$0x0];
	_ =	sdelay $0x2  }
0xb8: {  	s31 =	sshll.u32 s1, $0xD;
	s1 =	sshrl.u32 s1, $0x2  }
0xb9: {  	s3 =	sand.u32 $0x4000, s31;
	s1 =	sadd.s32 s1, s30  }
0xba: {  	s0 =	sor.u32 s3, s0;
	s1 =	sshll.u32 s1, $0x11  }
0xbb: {  	s0 =	sor.u32 s1, s0  }
0xbc: {  	s0 =	sadd.s32 $0x8F2B, s0  }
0xbd: {  	[sflag:s0] =	ssyncadd.remote.s32 $0x1  }
0xbe: {  	_ =	sfence.sel $0xFFFF  }
0xbf: {  	[dreg:$0x0] =	wrdreg $0xFFFFFFFF;
	(pc) =	sbr.abs _section_cstart, $3  }
0xc0: {  	[dreg:$0x1] =	wrdreg $0xFFFFFFFF  }
0xc1: {  	_ =	task.clear_ibuf [dreg:s7], $0x2FFFF;
	_ =	strace $0x9FFFFFFF  }
0xc2: {  	(tm) =	ssettm $0x7FFFFFFF  }
0xc3: {  	_ =	shalt  }
tec
execute0_lowered:
.L_overlay_start_1:
0x0: {  	(tag) =	ssettag $0x1  }
0x1: {  	s0 =	rddreg [dreg:$0x1];
	s2 =	simm.s32 $0x0  }
0x2: {  	s1 =	srdreg.scid;
	s9 =	stileid.u32;
	s28 =	simm.s32 $0x190  }
0x3: {  	s29 =	simm.s32 $0x800;
	s16 =	simm.s32 $0x2;
	s17 =	simm.s32 $0xD000  }
0x4: {  	s20 =	simm.s32 $0x3;
	s21 =	simm.s32 $0x5;
	s22 =	simm.s32 $0x7  }
0x5: {  	s31 =	simm.s32 $0x4;
	[smem:$0x7FF] =	sst s2;
	s4 =	sadd.s32 $0x17E00, s0  }
0x6: {  	s5 =	sadd.s32 $0x3C00, s0;
	s1 =	sand.u32 $0x1, s1;
	s6 =	sadd.s32 $0x3600, s0  }
0x7: {  	s7 =	sadd.s32 $0x3000, s0;
	s8 =	sadd.s32 $0x4200, s0;
	s3 =	sshll.u32 s1, $0x4  }
0x8: {  	s11 =	sadd.s32 $0x48E00, s0;
	s1 =	ssub.s32 $0x2, s1;
	s3 =	sor.u32 s9, s3  }
0x9: {  	s12 =	sadd.s32 $0x3F000, s0;
	s23 =	sshrl.u32 s1, $0x1;
	s10 =	smul.u32 $0x2710, s3  }
0xa: {  	_ =	strace $0x80000047;
	s9 =	sadd.s32 $0xE000, s0;
	s0 =	ssub.s32 s1, s23  }
0xb: {  	s23 =	simm.s32 $0x200;
	s0 =	smax.u32 s0, $0x1;
	s24 =	sshrl.u32 s10, $0x3  }
0xc: {  	s3 =	sadd.s32 $0x190, s10;
	s26 =	sadd.s32 $0x2580, s10;
	s18 =	sadd.s32 $0x320, s10  }
0xd: {  	s19 =	sadd.s32 $0x4B0, s10;
	[dreg:$0xa] =	wrdreg s0;
	s0 =	simm.s32 $0x6  }
0xe: {  	s13 =	sadd.s32 s8, s24;
	s1 =	sadd.s32 s9, s24;
	[dreg:$0x3] =	wrdreg s3  }
0xf: {  	s25 =	sshrl.u32 s3, $0x3;
	s30 =	sshll.u32 s26, $0x4;
	[dreg:$0x4] =	wrdreg s13  }
0x10: {  	s24 =	simm.s32 $0x400;
	[dreg:$0x5] =	wrdreg s1;
	s3 =	sadd.s32 s8, s25  }
0x11: {  	s1 =	sadd.s32 s9, s25;
	s13 =	smov.u32 s10;
	[dreg:$0x6] =	wrdreg s3  }
0x12: {  	[dreg:$0x7] =	wrdreg s1;
	s1 =	sshrl.u32 s26, $0x3;
	s3 =	sadd.s32 s11, s30  }
0x13: {  	s25 =	simm.s32 $0x600;
	[dreg:$0x8] =	wrdreg s3;
	s1 =	sadd.s32 s12, s1  }
0x14: {  	s26 =	simm.s32 $0x1;
	s3 =	simm.s32 $0x0;
	[dreg:$0x9] =	wrdreg s1  }
.LBB2_1:
0x15: {  	[dreg:$0xb] =	wrdreg s3  }
0x16: {  	s1 =	rddreg [dreg:$0x4]  }
0x17: {  	[tilespmem:s2], [sflag:$0x1] =	stream.linear.gather [hbm4b:s1+s2], $0x190, $0x38;
	[tilespmem:$0x1B400] =	vst v63  }
0x18: {  	s3 =	rddreg [dreg:$0x5]  }
0x19: {  	[tilespmem:s23], [sflag:$0x1] =	stream.linear.gather [hbm4b:s3+s2], $0x190, $0x38;
	[tilespmem:$0x1B400] =	vst v63  }
0x1a: {  	s10 =	rddreg [dreg:$0x6]  }
0x1b: {  	[tilespmem:s24], [sflag:$0x2] =	stream.linear.gather [hbm4b:s10+s2], $0x190, $0x38;
	[tilespmem:$0x1B400] =	vst v63  }
0x1c: {  	s14 =	rddreg [dreg:$0x7]  }
0x1d: {  	[tilespmem:s25], [sflag:$0x2] =	stream.linear.gather [hbm4b:s14+s2], $0x190, $0x38;
	[tilespmem:$0x1B400] =	vst v63  }
0x1e: {  	_ =	swait.ge [sflag:s26], $0x190  }
0x1f: {  	[sflag:s26] =	ssyncset.done $0x0  }
0x20: {  	[sflag:s26] =	ssyncadd.s32 $0xFFFFFE70  }
0x21: {  	_ =	swait.ge [sflag:s26], $0x190  }
0x22: {  	[sflag:s26] =	ssyncset.done $0x0  }
0x23: {  	[sflag:s26] =	ssyncadd.s32 $0xFFFFFE70  }
0x24: {  	s15 =	rddreg [dreg:$0x0]  }
0x25: {  	[tilespmem:s29], [sflag:$0x3] =	stream.indirect.gather [hbm4b:s15+s28], $0x80, s23, s28, $0xb8;
	[tilespmem:$0x1B400] =	vst v63  }
0x26: {  	s30 =	simm.s32 $0x19800  }
0x27: {  	[tilespmem:s30], [sflag:$0x5] =	stream.indirect.gather [hbm4b:s5+s28], $0x1, s23, s28, $0xb8;
	[tilespmem:$0x1B400] =	vst v63  }
0x28: {  	s3 =	simm.s32 $0x19A00  }
0x29: {  	[tilespmem:s3], [sflag:$0x5] =	stream.indirect.gather [hbm4b:s6+s28], $0x1, s23, s28, $0xb8;
	[tilespmem:$0x1B400] =	vst v63  }
0x2a: {  	s10 =	simm.s32 $0x19C00  }
0x2b: {  	[tilespmem:s10], [sflag:$0x5] =	stream.indirect.gather [hbm4b:s7+s28], $0x1, s23, s28, $0xb8;
	[tilespmem:$0x1B400] =	vst v63  }
0x2c: {  	s14 =	simm.s32 $0x19E00  }
0x2d: {  	[tilespmem:s14], [sflag:$0x5] =	stream.indirect.gather [hbm4b:s5+s28], $0x1, s2, s28, $0xb8;
	[tilespmem:$0x1B400] =	vst v63  }
0x2e: {  	s15 =	simm.s32 $0x1A000  }
0x2f: {  	[tilespmem:s15], [sflag:$0x5] =	stream.indirect.gather [hbm4b:s6+s28], $0x1, s2, s28, $0xb8;
	[tilespmem:$0x1B400] =	vst v63  }
0x30: {  	s30 =	simm.s32 $0x1A200;
	s14 =	simm.s32 $0x0  }
0x31: {  	[tilespmem:s30], [sflag:$0x5] =	stream.indirect.gather [hbm4b:s7+s28], $0x1, s2, s28, $0xb8;
	[tilespmem:$0x1B400] =	vst v63  }
.LBB2_2:
0x32: {  	_ =	swait.ge [sflag:s16], $0x190  }
0x33: {  	[sflag:s16] =	ssyncset.done $0x0  }
0x34: {  	[sflag:s16] =	ssyncadd.s32 $0xFFFFFE70  }
0x35: {  	_ =	swait.ge [sflag:s16], $0x190  }
0x36: {  	p0 =	seq.s32 s14, $0x0;
	[sflag:s16] =	ssyncset.done $0x0  }
0x37: {  	s1 =	simm.s32 @!p0 $0x8;
	[sflag:s16] =	ssyncadd.s32 $0xFFFFFE70  }
0x38: {  	_ =	swait.ge @!p0 [sflag:s1], $0xC800  }
0x39: {  	[sflag:s1] =	ssyncset.done @!p0 $0x0  }
0x3a: {  	[sflag:s1] =	ssyncadd.s32 @!p0 $0xFFFF3800  }
0x3b: {  	_ =	swait.ge @!p0 [sflag:s1], $0x190  }
0x3c: {  	[sflag:s1] =	ssyncset.done @!p0 $0x0  }
0x3d: {  	[sflag:s1] =	ssyncadd.s32 @!p0 $0xFFFFFE70  }
0x3e: {  	s1 =	rddreg [dreg:$0x0]  }
0x3f: {  	[tilespmem:s17], [sflag:$0x4] =	stream.indirect.gather [hbm4b:s1+s28], $0x80, s25, s28, $0xb8;
	[tilespmem:$0x1B400] =	vst v63  }
0x40: {  	s15 =	simm.s32 $0x1A400  }
0x41: {  	[tilespmem:s15], [sflag:$0x6] =	stream.indirect.gather [hbm4b:s5+s28], $0x1, s25, s28, $0xb8;
	[tilespmem:$0x1B400] =	vst v63  }
0x42: {  	s3 =	simm.s32 $0x1A600  }
0x43: {  	[tilespmem:s3], [sflag:$0x6] =	stream.indirect.gather [hbm4b:s6+s28], $0x1, s25, s28, $0xb8;
	[tilespmem:$0x1B400] =	vst v63  }
0x44: {  	s10 =	simm.s32 $0x1A800  }
0x45: {  	[tilespmem:s10], [sflag:$0x6] =	stream.indirect.gather [hbm4b:s7+s28], $0x1, s25, s28, $0xb8;
	[tilespmem:$0x1B400] =	vst v63  }
0x46: {  	s15 =	simm.s32 $0x1AA00  }
0x47: {  	[tilespmem:s15], [sflag:$0x6] =	stream.indirect.gather [hbm4b:s5+s28], $0x1, s24, s28, $0xb8;
	[tilespmem:$0x1B400] =	vst v63  }
0x48: {  	s3 =	simm.s32 $0x1AC00  }
0x49: {  	[tilespmem:s3], [sflag:$0x6] =	stream.indirect.gather [hbm4b:s6+s28], $0x1, s24, s28, $0xb8;
	[tilespmem:$0x1B400] =	vst v63  }
0x4a: {  	s10 =	simm.s32 $0x1AE00  }
0x4b: {  	[tilespmem:s10], [sflag:$0x6] =	stream.indirect.gather [hbm4b:s7+s28], $0x1, s24, s28, $0xb8;
	[tilespmem:$0x1B400] =	vst v63  }
0x4c: {  	_ =	swait.ge [sflag:s20], $0xC800  }
0x4d: {  	[sflag:s20] =	ssyncset.done $0x0  }
0x4e: {  	s15 =	simm.s32 $0x0;
	[sflag:s20] =	ssyncadd.s32 $0xFFFF3800  }
0x4f: {  	[tilespmem:s29], [sflag:$0x3] =	stream.indirect.gather.add.f32 [hbm:s4], $0x80, s15, s28, $0xb8;
	[tilespmem:$0x1B400] =	vst v63  }
0x50: {  	_ =	swait.ge [sflag:s21], $0x190  }
0x51: {  	[sflag:s21] =	ssyncset.done $0x0  }
0x52: {  	[sflag:s21] =	ssyncadd.s32 $0xFFFFFE70  }
0x53: {  	_ =	swait.ge [sflag:s21], $0x190  }
0x54: {  	[sflag:s21] =	ssyncset.done $0x0  }
0x55: {  	[sflag:s21] =	ssyncadd.s32 $0xFFFFFE70  }
0x56: {  	_ =	swait.ge [sflag:s21], $0x190  }
0x57: {  	[sflag:s21] =	ssyncset.done $0x0  }
0x58: {  	[sflag:s21] =	ssyncadd.s32 $0xFFFFFE70  }
0x59: {  	_ =	swait.ge [sflag:s21], $0x190  }
0x5a: {  	[sflag:s21] =	ssyncset.done $0x0  }
0x5b: {  	[sflag:s21] =	ssyncadd.s32 $0xFFFFFE70  }
0x5c: {  	_ =	swait.ge [sflag:s21], $0x190  }
0x5d: {  	[sflag:s21] =	ssyncset.done $0x0  }
0x5e: {  	[sflag:s21] =	ssyncadd.s32 $0xFFFFFE70  }
0x5f: {  	_ =	swait.ge [sflag:s21], $0x190  }
0x60: {  	[sflag:s21] =	ssyncset.done $0x0  }
0x61: {  	s15 =	simm.s32 $0x0;
	[sflag:s21] =	ssyncadd.s32 $0xFFFFFE70  }
0x62: {  	v3 =	vld [tilespmem:s15+$0x19800]  }
0x63: {  	v4 =	vld [tilespmem:s15+$0x19E00]  }
0x64: {  	v5 =	vld [tilespmem:s15+$0x19A00]  }
0x65: {  	v6 =	vld [tilespmem:s15+$0x1A000]  }
0x66: {  	v7 =	vld [tilespmem:s15+$0x19C00]  }
0x67: {  	s3 =	simm.s32 $0x10;
	v8 =	vld [tilespmem:s15+$0x1A200]  }
0x68: {  	v0 =	vld [tilespmem:s3+$0x19800]  }
0x69: {  	v2 =	vld [tilespmem:s3+$0x19E00]  }
0x6a: {  	v1 =	vld [tilespmem:s3+$0x19A00];
	v9 =	vmul.f32 v4, v3;
	v5 =	vmul.f32 v6, v5  }
0x6b: {  	v4 =	vld [tilespmem:s3+$0x1A000]  }
0x6c: {  	s30 =	simm.s32 $0x80;
	v3 =	vld [tilespmem:s3+$0x19C00];
	v6 =	vmul.f32 v8, v7;
	v5 =	vadd.f32 v5, v9  }
.LBB2_3:
0x6d: {  	s1 =	sshra.s32 s30, $0x2;
	v7 =	vld [tilespmem:s3+$0x1A200];
	v8 =	vmov v0;
	p0 =	sne.s32 s30, $0x600  }
.Ltmp0:
0x6e: {  	v0 =	vld [tilespmem:s1+$0x19800];
	v5 =	vadd.f32 v6, v5;
	v6 =	vmov v2;
	(pc) =	sbr.rel @p0 .LBB2_3-.Ltmp0, $4  }
0x6f: {  	v2 =	vld [tilespmem:s1+$0x19E00]  }
0x70: {  	s30 =	sadd.s32 $0x40, s30;
	v6 =	vmul.f32 v6, v8;
	v8 =	vmul.f32 v4, v1;
	v1 =	vld [tilespmem:s1+$0x19A00];
	[tilespmem:s15+$0x1B000] =	vst v5;
	s15 =	smov.u32 s3  }
0x71: {  	s3 =	smov.u32 s1;
	v4 =	vld [tilespmem:s1+$0x1A000]  }
0x72: {  	v5 =	vadd.f32 v8, v6;
	v6 =	vmul.f32 v7, v3;
	v3 =	vld [tilespmem:s3+$0x19C00]  }
0x73: {  	v7 =	vld [tilespmem:s3+$0x1A200];
	_ =	sdelay $0x2  }
0x74: {  	v0 =	vmul.f32 v2, v0;
	v1 =	vmul.f32 v4, v1;
	_ =	sdelay $0x1  }
0x75: {  	v0 =	vadd.f32 v1, v0;
	v1 =	vmul.f32 v7, v3  }
0x76: {  	v2 =	vadd.f32 v6, v5  }
0x77: {  	v0 =	vadd.f32 v1, v0  }
0x78: {  	[tilespmem:s15+$0x1B000] =	vst v2;
	s15 =	smul.u32 $0x320, s14  }
0x79: {  	[tilespmem:s3+$0x1B000] =	vst v0  }
0x7a: {  	s1 =	sadd.s32 s15, s18;
	_ =	swait.ge [sflag:s20], $0xC800  }
0x7b: {  	s1 =	sshrl.u32 s1, $0x3;
	[sflag:s20] =	ssyncset.done $0x0  }
0x7c: {  	s30 =	simm.s32 $0x0;
	s10 =	sadd.s32 s8, s1;
	[sflag:s20] =	ssyncadd.s32 $0xFFFF3800  }
0x7d: {  	[tilespmem:s30], [sflag:$0x1] =	stream.linear.gather [hbm4b:s10+s30], $0x190, $0x38;
	[tilespmem:$0x1B400] =	vst v63  }
0x7e: {  	s1 =	sadd.s32 s9, s1  }
0x7f: {  	[tilespmem:s23], [sflag:$0x1] =	stream.linear.gather [hbm4b:s1+s30], $0x190, $0x38;
	[tilespmem:$0x1B400] =	vst v63  }
0x80: {  	s1 =	sadd.s32 s13, s15  }
0x81: {  	s10 =	sshll.u32 s1, $0x4  }
0x82: {  	s1 =	sshrl.u32 s1, $0x3;
	s3 =	sadd.s32 s11, s10  }
0x83: {  	[hbm4b:s3+s30] =	stream.linear.scatter [tilespmem:s29], [sflag:$0x7], $0xC800, $0x38;
	[tilespmem:$0x1B400] =	vst v63  }
0x84: {  	s1 =	sadd.s32 s12, s1;
	s10 =	simm.s32 $0x1B000  }
0x85: {  	[hbm4b:s1+s30] =	stream.linear.scatter [tilespmem:s10], [sflag:$0x7], $0x190, $0x38;
	[tilespmem:$0x1B400] =	vst v63  }
0x86: {  	_ =	swait.ge [sflag:s26], $0x190  }
0x87: {  	[sflag:s26] =	ssyncset.done $0x0  }
0x88: {  	[sflag:s26] =	ssyncadd.s32 $0xFFFFFE70  }
0x89: {  	_ =	swait.ge [sflag:s26], $0x190  }
0x8a: {  	[sflag:s26] =	ssyncset.done $0x0  }
0x8b: {  	[sflag:s26] =	ssyncadd.s32 $0xFFFFFE70  }
0x8c: {  	_ =	swait.ge [sflag:s22], $0xC800  }
0x8d: {  	[sflag:s22] =	ssyncset.done $0x0  }
0x8e: {  	[sflag:s22] =	ssyncadd.s32 $0xFFFF3800  }
0x8f: {  	_ =	swait.ge [sflag:s22], $0x190  }
0x90: {  	[sflag:s22] =	ssyncset.done $0x0  }
0x91: {  	[sflag:s22] =	ssyncadd.s32 $0xFFFFFE70  }
0x92: {  	s10 =	rddreg [dreg:$0x0]  }
0x93: {  	[tilespmem:s29], [sflag:$0x3] =	stream.indirect.gather [hbm4b:s10+s28], $0x80, s23, s28, $0xb8;
	[tilespmem:$0x1B400] =	vst v63  }
0x94: {  	s3 =	simm.s32 $0x19800  }
0x95: {  	[tilespmem:s3], [sflag:$0x5] =	stream.indirect.gather [hbm4b:s5+s28], $0x1, s23, s28, $0xb8;
	[tilespmem:$0x1B400] =	vst v63  }
0x96: {  	s10 =	simm.s32 $0x19A00  }
0x97: {  	[tilespmem:s10], [sflag:$0x5] =	stream.indirect.gather [hbm4b:s6+s28], $0x1, s23, s28, $0xb8;
	[tilespmem:$0x1B400] =	vst v63  }
0x98: {  	s3 =	simm.s32 $0x19C00  }
0x99: {  	[tilespmem:s3], [sflag:$0x5] =	stream.indirect.gather [hbm4b:s7+s28], $0x1, s23, s28, $0xb8;
	[tilespmem:$0x1B400] =	vst v63  }
0x9a: {  	s10 =	simm.s32 $0x19E00  }
0x9b: {  	[tilespmem:s10], [sflag:$0x5] =	stream.indirect.gather [hbm4b:s5+s28], $0x1, s30, s28, $0xb8;
	[tilespmem:$0x1B400] =	vst v63  }
0x9c: {  	s3 =	simm.s32 $0x1A000  }
0x9d: {  	[tilespmem:s3], [sflag:$0x5] =	stream.indirect.gather [hbm4b:s6+s28], $0x1, s30, s28, $0xb8;
	[tilespmem:$0x1B400] =	vst v63  }
0x9e: {  	s10 =	simm.s32 $0x1A200  }
0x9f: {  	[tilespmem:s10], [sflag:$0x5] =	stream.indirect.gather [hbm4b:s7+s28], $0x1, s30, s28, $0xb8;
	[tilespmem:$0x1B400] =	vst v63  }
0xa0: {  	_ =	swait.ge [sflag:s31], $0xC800  }
0xa1: {  	[sflag:s31] =	ssyncset.done $0x0  }
0xa2: {  	[sflag:s31] =	ssyncadd.s32 $0xFFFF3800  }
0xa3: {  	[tilespmem:s17], [sflag:$0x4] =	stream.indirect.gather.add.f32 [hbm:s4], $0x80, s24, s28, $0xb8;
	[tilespmem:$0x1B400] =	vst v63  }
0xa4: {  	_ =	swait.ge [sflag:s0], $0x190  }
0xa5: {  	[sflag:s0] =	ssyncset.done $0x0  }
0xa6: {  	[sflag:s0] =	ssyncadd.s32 $0xFFFFFE70  }
0xa7: {  	_ =	swait.ge [sflag:s0], $0x190  }
0xa8: {  	[sflag:s0] =	ssyncset.done $0x0  }
0xa9: {  	[sflag:s0] =	ssyncadd.s32 $0xFFFFFE70  }
0xaa: {  	_ =	swait.ge [sflag:s0], $0x190  }
0xab: {  	[sflag:s0] =	ssyncset.done $0x0  }
0xac: {  	[sflag:s0] =	ssyncadd.s32 $0xFFFFFE70  }
0xad: {  	_ =	swait.ge [sflag:s0], $0x190  }
0xae: {  	[sflag:s0] =	ssyncset.done $0x0  }
0xaf: {  	[sflag:s0] =	ssyncadd.s32 $0xFFFFFE70  }
0xb0: {  	_ =	swait.ge [sflag:s0], $0x190  }
0xb1: {  	[sflag:s0] =	ssyncset.done $0x0  }
0xb2: {  	[sflag:s0] =	ssyncadd.s32 $0xFFFFFE70  }
0xb3: {  	_ =	swait.ge [sflag:s0], $0x190  }
0xb4: {  	[sflag:s0] =	ssyncset.done $0x0  }
0xb5: {  	s3 =	simm.s32 $0x0;
	[sflag:s0] =	ssyncadd.s32 $0xFFFFFE70  }
0xb6: {  	v3 =	vld [tilespmem:s3+$0x1A400]  }
0xb7: {  	v4 =	vld [tilespmem:s3+$0x1AA00]  }
0xb8: {  	v5 =	vld [tilespmem:s3+$0x1A600]  }
0xb9: {  	v6 =	vld [tilespmem:s3+$0x1AC00]  }
0xba: {  	v7 =	vld [tilespmem:s3+$0x1A800]  }
0xbb: {  	s30 =	simm.s32 $0x10;
	v8 =	vld [tilespmem:s3+$0x1AE00]  }
0xbc: {  	v0 =	vld [tilespmem:s30+$0x1A400]  }
0xbd: {  	v2 =	vld [tilespmem:s30+$0x1AA00]  }
0xbe: {  	v1 =	vld [tilespmem:s30+$0x1A600];
	v9 =	vmul.f32 v4, v3;
	v5 =	vmul.f32 v6, v5  }
0xbf: {  	v4 =	vld [tilespmem:s30+$0x1AC00]  }
0xc0: {  	s1 =	simm.s32 $0x80;
	v3 =	vld [tilespmem:s30+$0x1A800];
	v6 =	vmul.f32 v8, v7;
	v5 =	vadd.f32 v5, v9  }
.LBB2_5:
0xc1: {  	s10 =	sshra.s32 s1, $0x2;
	v7 =	vld [tilespmem:s30+$0x1AE00];
	v8 =	vmov v0;
	p0 =	sne.s32 s1, $0x600  }
.Ltmp1:
0xc2: {  	v0 =	vld [tilespmem:s10+$0x1A400];
	v5 =	vadd.f32 v6, v5;
	v6 =	vmov v2;
	(pc) =	sbr.rel @p0 .LBB2_5-.Ltmp1, $4  }
0xc3: {  	v2 =	vld [tilespmem:s10+$0x1AA00]  }
0xc4: {  	s1 =	sadd.s32 $0x40, s1;
	v6 =	vmul.f32 v6, v8;
	v8 =	vmul.f32 v4, v1;
	v1 =	vld [tilespmem:s10+$0x1A600];
	[tilespmem:s3+$0x1B200] =	vst v5;
	s3 =	smov.u32 s30  }
0xc5: {  	s30 =	smov.u32 s10;
	v4 =	vld [tilespmem:s10+$0x1AC00]  }
0xc6: {  	v5 =	vadd.f32 v8, v6;
	v6 =	vmul.f32 v7, v3;
	v3 =	vld [tilespmem:s30+$0x1A800]  }
0xc7: {  	v7 =	vld [tilespmem:s30+$0x1AE00];
	_ =	sdelay $0x2  }
0xc8: {  	v0 =	vmul.f32 v2, v0;
	v1 =	vmul.f32 v4, v1;
	_ =	sdelay $0x1  }
0xc9: {  	v0 =	vadd.f32 v1, v0;
	v62 =	vmul.f32 v7, v3  }
0xca: {  	v63 =	vadd.f32 v6, v5  }
0xcb: {  	v0 =	vadd.f32 v62, v0  }
0xcc: {  	[tilespmem:s3+$0x1B200] =	vst v63  }
0xcd: {  	p0 =	seq.s32 s14, $0xB;
	[tilespmem:s30+$0x1B200] =	vst v0  }
0xce: {  	s1 =	sadd.s32 @!p0 s15, s19;
	_ =	swait.ge [sflag:s31], $0xC800  }
0xcf: {  	s10 =	simm.s32 @!p0 $0x0;
	s1 =	sshrl.u32 @!p0 s1, $0x3;
	[sflag:s31] =	ssyncset.done $0x0  }
0xd0: {  	s3 =	sadd.s32 @!p0 s8, s1;
	s30 =	simm.s32 @!p0 $0x400;
	[sflag:s31] =	ssyncadd.s32 $0xFFFF3800  }
0xd1: {  	[tilespmem:s30], [sflag:$0x2] =	stream.linear.gather @!p0 [hbm4b:s3+s10], $0x190, $0x38;
	[tilespmem:$0x1B400] =	vst v63  }
0xd2: {  	s1 =	sadd.s32 @!p0 s9, s1;
	s3 =	simm.s32 @!p0 $0x600  }
0xd3: {  	[tilespmem:s3], [sflag:$0x2] =	stream.linear.gather @!p0 [hbm4b:s1+s10], $0x190, $0x38;
	[tilespmem:$0x1B400] =	vst v63  }
0xd4: {  	s14 =	sadd.s32 $0x1, s14;
	s10 =	rddreg [dreg:$0x3]  }
0xd5: {  	p0 =	sne.s32 s14, $0xC;
	s1 =	sadd.s32 s15, s10  }
.Ltmp2:
0xd6: {  	s15 =	sshll.u32 s1, $0x4;
	(pc) =	sbr.rel @p0 .LBB2_2-.Ltmp2, $4  }
0xd7: {  	s1 =	sshrl.u32 s1, $0x3;
	s3 =	sadd.s32 s11, s15  }
0xd8: {  	[hbm4b:s3+s2] =	stream.linear.scatter [tilespmem:s17], [sflag:$0x8], $0xC800, $0x38;
	[tilespmem:$0x1B400] =	vst v63  }
0xd9: {  	s30 =	simm.s32 $0x1B200;
	s1 =	sadd.s32 s12, s1  }
0xda: {  	[hbm4b:s1+s2] =	stream.linear.scatter [tilespmem:s30], [sflag:$0x8], $0x190, $0x38;
	[tilespmem:$0x1B400] =	vst v63  }
0xdb: {  	_ =	swait.ge [sflag:s20], $0xC800  }
0xdc: {  	[sflag:s20] =	ssyncset.done $0x0  }
0xdd: {  	s1 =	simm.s32 $0x0;
	[sflag:s20] =	ssyncadd.s32 $0xFFFF3800  }
0xde: {  	[tilespmem:s29], [sflag:$0x3] =	stream.indirect.gather.add.f32 [hbm:s4], $0x80, s1, s28, $0xb8;
	[tilespmem:$0x1B400] =	vst v63  }
0xdf: {  	_ =	swait.ge [sflag:s21], $0x190  }
0xe0: {  	[sflag:s21] =	ssyncset.done $0x0  }
0xe1: {  	[sflag:s21] =	ssyncadd.s32 $0xFFFFFE70  }
0xe2: {  	_ =	swait.ge [sflag:s21], $0x190  }
0xe3: {  	[sflag:s21] =	ssyncset.done $0x0  }
0xe4: {  	[sflag:s21] =	ssyncadd.s32 $0xFFFFFE70  }
0xe5: {  	_ =	swait.ge [sflag:s21], $0x190  }
0xe6: {  	[sflag:s21] =	ssyncset.done $0x0  }
0xe7: {  	[sflag:s21] =	ssyncadd.s32 $0xFFFFFE70  }
0xe8: {  	_ =	swait.ge [sflag:s21], $0x190  }
0xe9: {  	[sflag:s21] =	ssyncset.done $0x0  }
0xea: {  	[sflag:s21] =	ssyncadd.s32 $0xFFFFFE70  }
0xeb: {  	_ =	swait.ge [sflag:s21], $0x190  }
0xec: {  	[sflag:s21] =	ssyncset.done $0x0  }
0xed: {  	[sflag:s21] =	ssyncadd.s32 $0xFFFFFE70  }
0xee: {  	_ =	swait.ge [sflag:s21], $0x190  }
0xef: {  	[sflag:s21] =	ssyncset.done $0x0  }
0xf0: {  	s3 =	simm.s32 $0x0;
	[sflag:s21] =	ssyncadd.s32 $0xFFFFFE70  }
0xf1: {  	v3 =	vld [tilespmem:s3+$0x19800]  }
0xf2: {  	v4 =	vld [tilespmem:s3+$0x19E00]  }
0xf3: {  	v5 =	vld [tilespmem:s3+$0x19A00]  }
0xf4: {  	v6 =	vld [tilespmem:s3+$0x1A000]  }
0xf5: {  	v7 =	vld [tilespmem:s3+$0x19C00]  }
0xf6: {  	s14 =	simm.s32 $0x10;
	v8 =	vld [tilespmem:s3+$0x1A200]  }
0xf7: {  	v0 =	vld [tilespmem:s14+$0x19800]  }
0xf8: {  	v2 =	vld [tilespmem:s14+$0x19E00]  }
0xf9: {  	v1 =	vld [tilespmem:s14+$0x19A00];
	v9 =	vmul.f32 v4, v3;
	v5 =	vmul.f32 v6, v5  }
0xfa: {  	v4 =	vld [tilespmem:s14+$0x1A000]  }
0xfb: {  	s1 =	simm.s32 $0x80;
	v3 =	vld [tilespmem:s14+$0x19C00];
	v6 =	vmul.f32 v8, v7;
	v5 =	vadd.f32 v5, v9  }
.LBB2_8:
0xfc: {  	s10 =	sshra.s32 s1, $0x2;
	v7 =	vld [tilespmem:s14+$0x1A200];
	v8 =	vmov v0;
	p0 =	sne.s32 s1, $0x600  }
.Ltmp3:
0xfd: {  	v0 =	vld [tilespmem:s10+$0x19800];
	v5 =	vadd.f32 v6, v5;
	v6 =	vmov v2;
	(pc) =	sbr.rel @p0 .LBB2_8-.Ltmp3, $4  }
0xfe: {  	v2 =	vld [tilespmem:s10+$0x19E00]  }
0xff: {  	s1 =	sadd.s32 $0x40, s1;
	v6 =	vmul.f32 v6, v8;
	v8 =	vmul.f32 v4, v1;
	v1 =	vld [tilespmem:s10+$0x19A00];
	[tilespmem:s3+$0x1B000] =	vst v5;
	s3 =	smov.u32 s14  }
0x100: {  	s14 =	smov.u32 s10;
	v4 =	vld [tilespmem:s10+$0x1A000]  }
0x101: {  	v5 =	vadd.f32 v8, v6;
	v6 =	vmul.f32 v7, v3;
	v3 =	vld [tilespmem:s14+$0x19C00]  }
0x102: {  	v7 =	vld [tilespmem:s14+$0x1A200];
	_ =	sdelay $0x2  }
0x103: {  	v0 =	vmul.f32 v2, v0;
	v1 =	vmul.f32 v4, v1;
	_ =	sdelay $0x1  }
0x104: {  	v0 =	vadd.f32 v1, v0;
	v62 =	vmul.f32 v7, v3  }
0x105: {  	v63 =	vadd.f32 v6, v5  }
0x106: {  	v0 =	vadd.f32 v62, v0  }
0x107: {  	[tilespmem:s3+$0x1B000] =	vst v63  }
0x108: {  	[tilespmem:s14+$0x1B000] =	vst v0  }
0x109: {  	_ =	swait.ge [sflag:s20], $0xC800  }
0x10a: {  	[sflag:s20] =	ssyncset.done $0x0  }
0x10b: {  	s1 =	simm.s32 $0x8;
	[sflag:s20] =	ssyncadd.s32 $0xFFFF3800  }
0x10c: {  	_ =	swait.ge [sflag:s1], $0xC800  }
0x10d: {  	[sflag:s1] =	ssyncset.done $0x0  }
0x10e: {  	[sflag:s1] =	ssyncadd.s32 $0xFFFF3800  }
0x10f: {  	_ =	swait.ge [sflag:s1], $0x190  }
0x110: {  	[sflag:s1] =	ssyncset.done $0x0  }
0x111: {  	s3 =	rddreg [dreg:$0x8];
	[sflag:s1] =	ssyncadd.s32 $0xFFFFFE70  }
0x112: {  	[hbm4b:s3+s2] =	stream.linear.scatter [tilespmem:s29], [sflag:$0x7], $0xC800, $0x38;
	[tilespmem:$0x1B400] =	vst v63  }
0x113: {  	s14 =	simm.s32 $0x1B000;
	s10 =	rddreg [dreg:$0x9]  }
0x114: {  	[hbm4b:s10+s2] =	stream.linear.scatter [tilespmem:s14], [sflag:$0x7], $0x190, $0x38;
	[tilespmem:$0x1B400] =	vst v63  }
0x115: {  	_ =	swait.ge [sflag:s22], $0xC800  }
0x116: {  	[sflag:s22] =	ssyncset.done $0x0  }
0x117: {  	[sflag:s22] =	ssyncadd.s32 $0xFFFF3800  }
0x118: {  	_ =	swait.ge [sflag:s22], $0x190  }
0x119: {  	s15 =	rddreg [dreg:$0xb]  }
0x11a: {  	s30 =	rddreg [dreg:$0xa];
	s3 =	sadd.s32 $0x1, s15  }
0x11b: {  	p0 =	sne.s32 s3, s30  }
.Ltmp4:
0x11c: {  	_ = 	snop;
	(pc) =	sbr.rel @p0 .LBB2_1-.Ltmp4, $3  }
0x11d: {  	_ =	sdelay $0x1  }
0x11e: {  	[sflag:s22] =	ssyncset.done $0x0  }
0x11f: {  	[sflag:s22] =	ssyncadd.s32 $0xFFFFFE70  }
0x120: {  	_ =	sfence.sel $0x180000  }
0x121: {  	[bflag:$0x0] =	sbarrier.arrive $0xFFFF  }
0x122: {  	_ =	strace $0x90000047  }
0x123: {  	s0 =	stileid.u32;
	[bflag:$0x2] =	sbarrier.arrive $0xFFFF  }
0x124: {  	p0 =	sne.s32 s0, $0x0;
	s0 =	rddreg [dreg:$0x2]  }
0x125: {  	s0 =	sadd.s32 @!p0 $0x100000, s0  }
0x126: {  	[sflag:s0] =	ssyncadd.tile.s32 @!p0 $0x1;
	_ =	shalt  }
.Lfunc_end2:
_tile_overlayer_lowered:
.L_overlay_start_2:
0x127: {  	(tag) =	ssettag $0x2  }
0x128: {  	s0 =	rddreg [dreg:$0x0];
	s2 =	stileid.u32  }
0x129: {  	s1 =	rddreg [dreg:$0x1];
	p0 =	sne.s32 s2, $0x0  }
0x12a: {  	s3 =	rddreg [dreg:$0x2];
	[bflag:$0x3] =	sbarrier.arrive $0xFFFF;
	s2 =	simm.s32 @!p0 $0x1C09  }
0x12b: {  	[timem:s3], [sflag:s2] =	dma.local @!p0 [hbm:s0], s1  }
0x12c: {  	s0 =	simm.s32 @!p0 $0x9  }
0x12d: {  	_ =	swait.ge @!p0 [sflag:s0], s1  }
0x12e: {  	s1 =	ssub.s32 @!p0 $0x0, s1;
	[sflag:s0] =	ssyncset.done @!p0 $0x0  }
0x12f: {  	[sflag:s0] =	ssyncadd.s32 @!p0 s1  }
0x130: {  	[bflag:$0x3] =	sbarrier.arrive $0xFFFF  }
0x131: {  	_ =	shalt  }

</sc_bundles>
